<compile_context>
chip_gen: v7x
topology: tpu7x:2x2x1
jax: 0.10.2.dev20260603
libtpu: 0.0.44.dev20260713+nightly
codegen_flags: <defaults>
</compile_context>

<pallas_src>
import functools

import jax
import jax.numpy as jnp
from jax import lax
from jax.experimental import pallas as pl
from jax.experimental.pallas import tpu as pltpu
from jax.experimental.pallas import tpu_sc as plsc

B = 16384
N = 1000000
D = 64
FD = 128
NC = 2
NS = 16
NW = NC * NS
BPW = B // NW

GRID = 62
TBLK = 16384
NXB = 32
XBLK = B // NXB


def _tc_body(wb_ref, ttu_ref, ttm_ref, x_ref, vu_ref, vm_ref, xw_ref):
    wu = wb_ref[0:D][None, :]
    wm = wb_ref[D:2 * D][None, :]
    dot = functools.partial(
        jax.lax.dot_general,
        dimension_numbers=(((1,), (0,)), ((), ())),
        preferred_element_type=jnp.float32,
    )
    vu_ref[...] = dot(wu, ttu_ref[...])[None]
    vm_ref[...] = dot(wm, ttm_ref[...])[None]
    wx = wb_ref[2 * D:2 * D + FD][:, None]
    bias = wb_ref[2 * D + FD]
    xw_ref[...] = jnp.dot(x_ref[...], wx, preferred_element_type=jnp.float32)[:, 0] + bias


def _tc_call(ttu, ttm, x, wb):
    return pl.pallas_call(
        _tc_body,
        grid=(GRID,),
        in_specs=[
            pl.BlockSpec((2 * D + FD + 16,), lambda i: (0,)),
            pl.BlockSpec((D, TBLK), lambda i: (0, i)),
            pl.BlockSpec((D, TBLK), lambda i: (0, i)),
            pl.BlockSpec((XBLK, FD), lambda i: (i * NXB // GRID, 0)),
        ],
        out_specs=[
            pl.BlockSpec((1, 1, TBLK), lambda i: (i, 0, 0)),
            pl.BlockSpec((1, 1, TBLK), lambda i: (i, 0, 0)),
            pl.BlockSpec((XBLK,), lambda i: (i * NXB // GRID,)),
        ],
        out_shape=[
            jax.ShapeDtypeStruct((GRID, 1, TBLK), jnp.float32),
            jax.ShapeDtypeStruct((GRID, 1, TBLK), jnp.float32),
            jax.ShapeDtypeStruct((B,), jnp.float32),
        ],
    )(wb, ttu, ttm, x)


def _sc_body(vu_hbm, vm_hbm, xw_hbm, idxm_hbm, idxu_hbm, out_hbm,
             idxm_v, idxu_v, idxmq_v, idxuq_v, gu_v, gm_v, xw_v, out_v,
             sem_u, sem_m):
    wid = lax.axis_index("s") * NC + lax.axis_index("c")
    base = wid * BPW
    pltpu.sync_copy(idxm_hbm.at[pl.ds(base, BPW)], idxm_v)
    pltpu.sync_copy(idxu_hbm.at[pl.ds(base, BPW)], idxu_v)
    for k in range(BPW // 16):
        s = pl.ds(16 * k, 16)
        idxmq_v[s] = lax.shift_right_logical(idxm_v[s], 4)
        idxuq_v[s] = lax.shift_right_logical(idxu_v[s], 4)
    cp_u = pltpu.async_copy(vu_hbm.at[idxuq_v], gu_v, sem_u)
    cp_m = pltpu.async_copy(vm_hbm.at[idxmq_v], gm_v, sem_m)
    pltpu.sync_copy(xw_hbm.at[pl.ds(base, BPW)], xw_v)
    cp_u.wait()
    cp_m.wait()
    rows16 = lax.iota(jnp.int32, 16)
    for k in range(BPW // 16):
        s = pl.ds(16 * k, 16)
        rows = rows16 + 16 * k
        su = plsc.load_gather(gu_v, [rows, idxu_v[s] & 15])
        sm = plsc.load_gather(gm_v, [rows, idxm_v[s] & 15])
        out_v[s] = su + sm + xw_v[s]
    pltpu.sync_copy(out_v, out_hbm.at[pl.ds(base, BPW)])


def _sc_call(vu2, vm2, xw, idxm, idxu):
    mesh = plsc.VectorSubcoreMesh(core_axis_name="c", subcore_axis_name="s")
    fn = functools.partial(
        pl.kernel,
        out_type=jax.ShapeDtypeStruct((B,), jnp.float32),
        mesh=mesh,
        compiler_params=pltpu.CompilerParams(
            needs_layout_passes=False, use_tc_tiling_on_sc=False),
        scratch_types=[
            pltpu.VMEM((BPW,), jnp.int32),
            pltpu.VMEM((BPW,), jnp.int32),
            pltpu.VMEM((BPW,), jnp.int32),
            pltpu.VMEM((BPW,), jnp.int32),
            pltpu.VMEM((BPW, 16), jnp.float32),
            pltpu.VMEM((BPW, 16), jnp.float32),
            pltpu.VMEM((BPW,), jnp.float32),
            pltpu.VMEM((BPW,), jnp.float32),
            pltpu.SemaphoreType.DMA,
            pltpu.SemaphoreType.DMA,
        ],
    )(_sc_body)
    return fn(vu2, vm2, xw, idxm, idxu)


def kernel(x, idxs, user_table, movie_table, W, b):
    idx32 = idxs.astype(jnp.int32)
    idxm = idx32[:, 0]
    idxu = idx32[:, 1]
    wb = jnp.concatenate(
        [W[:, 0], jnp.broadcast_to(b.astype(jnp.float32), (16,))])
    vu, vm, xw = _tc_call(user_table.T, movie_table.T, x, wb)
    out = _sc_call(vu.reshape(GRID * TBLK // 16, 16),
                   vm.reshape(GRID * TBLK // 16, 16),
                   xw, idxm, idxu)
    return out.reshape(B, 1)

# --- scband reference (transcript-rebuilt; emitter-appended) ---
"""Pipeline reference for scband-matrix-factorization-machine-60876866453930 (READ-ONLY COPY).

The authoritative reference and input builder live on the scoring server;
editing this copy changes nothing except your own understanding.
"""

import jax, jax.numpy as jnp
import numpy as np

N_USERS = 1000000
N_MOVIES = 1000000
EMBD_DIM = 64
FEATURES_DIM = 128
BATCH = 16384


def setup_inputs(seed: int = 0) -> dict:
    key = jax.random.key(seed)
    k_x, k_idx, k_ue, k_me, k_w, k_b = jax.random.split(key, 6)
    x = jax.random.normal(k_x, (BATCH, FEATURES_DIM), dtype=jnp.float32)
    idxs = jax.random.randint(k_idx, (BATCH, 2), 0, min(N_USERS, N_MOVIES), dtype=jnp.int64)
    # learned parameters (match nn.Embedding default init N(0,1); Linear uniform)
    user_table = jax.random.normal(k_ue, (N_USERS, EMBD_DIM), dtype=jnp.float32)
    movie_table = jax.random.normal(k_me, (N_MOVIES, EMBD_DIM), dtype=jnp.float32)
    in_dim = FEATURES_DIM + 2 * EMBD_DIM
    bound = 1.0 / np.sqrt(in_dim)
    W = jax.random.uniform(k_w, (in_dim, 1), minval=-bound, maxval=bound, dtype=jnp.float32)
    b = jax.random.uniform(k_b, (1,), minval=-bound, maxval=bound, dtype=jnp.float32)
    return {"x": x, "idxs": idxs, "user_table": user_table, "movie_table": movie_table, "W": W, "b": b}


def reference(x, idxs, user_table, movie_table, W, b):
    # movie_emb = self.movie_embd(idxs[:, 0]); user_emb = self.user_embd(idxs[:, 1])
    movie_emb = jnp.take(movie_table, idxs[:, 0], axis=0)
    user_emb = jnp.take(user_table, idxs[:, 1], axis=0)
    out = jnp.concatenate([user_emb, movie_emb, x], axis=1)
    # dropout in eval mode -> identity
    out = out @ W + b
    return out

if __name__ == "__main__":
    import jax
    _d = setup_inputs()
    print(jax.jit(kernel)(*tuple(_d.values())))

</pallas_src>

<mosaic_0001>
#map = affine_map<(d0, d1) -> (0, 0)>
#map1 = affine_map<(d0, d1) -> (0)>
module attributes {stable_mosaic.version = 14 : i64} {
  func.func @_sc_body(%arg0: i32, %arg1: i32, %arg2: memref<63488x16xf32, #tpu.memory_space<hbm>>, %arg3: memref<63488x16xf32, #tpu.memory_space<hbm>>, %arg4: memref<16384xf32, #tpu.memory_space<hbm>>, %arg5: memref<16384xi32, #tpu.memory_space<hbm>>, %arg6: memref<16384xi32, #tpu.memory_space<hbm>>, %arg7: memref<16384xf32, #tpu.memory_space<hbm>>, %arg8: memref<512xi32, #tpu.memory_space<vmem>>, %arg9: memref<512xi32, #tpu.memory_space<vmem>>, %arg10: memref<512xi32, #tpu.memory_space<vmem>>, %arg11: memref<512xi32, #tpu.memory_space<vmem>>, %arg12: memref<512x16xf32, #tpu.memory_space<vmem>>, %arg13: memref<512x16xf32, #tpu.memory_space<vmem>>, %arg14: memref<512xf32, #tpu.memory_space<vmem>>, %arg15: memref<512xf32, #tpu.memory_space<vmem>>, %arg16: memref<!tpu.dma_semaphore, #tpu.memory_space<semaphore_mem>>, %arg17: memref<!tpu.dma_semaphore, #tpu.memory_space<semaphore_mem>>) attributes {dimension_semantics = [#tpu.dimension_semantics<core_parallel>, #tpu.dimension_semantics<subcore_parallel>], iteration_bounds = array<i64: 2, 16>, scalar_prefetch = 0 : i64, scratch_operands = 10 : i64, tpu.core_type = #tpu.core_type<sc_vector_subcore>, window_params = [{transform_indices = #map}, {transform_indices = #map}, {transform_indices = #map1}, {transform_indices = #map1}, {transform_indices = #map1}, {transform_indices = #map1}]} {
    %mul3A = arith.constant 2 : i32
    %mul3A_0 = arith.muli %arg1, %mul3A : i32
    %add3A = arith.addi %mul3A_0, %arg0 : i32
    %mul3A_1 = arith.constant 512 : i32
    %mul3A_2 = arith.muli %add3A, %mul3A_1 : i32
    "tpu.region"() ({
      %run_scoped3A = tpu.sem_alloc : memref<!tpu.dma_semaphore, #tpu.memory_space<semaphore_mem>>
      %dma_start3A_1128 = tpu.memref_slice %arg5[%mul3A_2] : memref<16384xi32, #tpu.memory_space<hbm>> -> memref<512xi32, #tpu.memory_space<hbm>>
      %dma_start3A_1129 = tpu.memref_slice %arg5[%mul3A_2] : memref<16384xi32, #tpu.memory_space<hbm>> -> memref<512xi32, #tpu.memory_space<hbm>>
      tpu.enqueue_dma source(%dma_start3A_1129 : memref<512xi32, #tpu.memory_space<hbm>>) target(%arg8 : memref<512xi32, #tpu.memory_space<vmem>>) target_semaphore(%run_scoped3A : memref<!tpu.dma_semaphore, #tpu.memory_space<semaphore_mem>>)
      %dma_wait3A_1130 = tpu.memref_slice %arg5[%mul3A_2] : memref<16384xi32, #tpu.memory_space<hbm>> -> memref<512xi32, #tpu.memory_space<hbm>>
      %dma_wait3A_1131 = tpu.memref_slice %arg5[%mul3A_2] : memref<16384xi32, #tpu.memory_space<hbm>> -> memref<512xi32, #tpu.memory_space<hbm>>
      tpu.wait_dma2 semaphore(%run_scoped3A : memref<!tpu.dma_semaphore, #tpu.memory_space<semaphore_mem>>) src(%dma_wait3A_1131 : memref<512xi32, #tpu.memory_space<hbm>>) dst(%arg8 : memref<512xi32, #tpu.memory_space<vmem>>)
      tpu.yield
    }) : () -> ()
    "tpu.region"() ({
      %run_scoped3A = tpu.sem_alloc : memref<!tpu.dma_semaphore, #tpu.memory_space<semaphore_mem>>
      %dma_start3A_1128 = tpu.memref_slice %arg6[%mul3A_2] : memref<16384xi32, #tpu.memory_space<hbm>> -> memref<512xi32, #tpu.memory_space<hbm>>
      %dma_start3A_1129 = tpu.memref_slice %arg6[%mul3A_2] : memref<16384xi32, #tpu.memory_space<hbm>> -> memref<512xi32, #tpu.memory_space<hbm>>
      tpu.enqueue_dma source(%dma_start3A_1129 : memref<512xi32, #tpu.memory_space<hbm>>) target(%arg9 : memref<512xi32, #tpu.memory_space<vmem>>) target_semaphore(%run_scoped3A : memref<!tpu.dma_semaphore, #tpu.memory_space<semaphore_mem>>)
      %dma_wait3A_1130 = tpu.memref_slice %arg6[%mul3A_2] : memref<16384xi32, #tpu.memory_space<hbm>> -> memref<512xi32, #tpu.memory_space<hbm>>
      %dma_wait3A_1131 = tpu.memref_slice %arg6[%mul3A_2] : memref<16384xi32, #tpu.memory_space<hbm>> -> memref<512xi32, #tpu.memory_space<hbm>>
      tpu.wait_dma2 semaphore(%run_scoped3A : memref<!tpu.dma_semaphore, #tpu.memory_space<semaphore_mem>>) src(%dma_wait3A_1131 : memref<512xi32, #tpu.memory_space<hbm>>) dst(%arg9 : memref<512xi32, #tpu.memory_space<vmem>>)
      tpu.yield
    }) : () -> ()
    %get3A = arith.constant 0 : index
    %get3A_3 = tpu.vector_load %arg8[%get3A] {strides = array<i32>} : memref<512xi32, #tpu.memory_space<vmem>>, vector<16xi32>,
    %shift_right_logical3A = arith.constant 4 : i32
    %shift_right_logical3A_4 = vector.broadcast %shift_right_logical3A : i32 to vector<16xi32>
    %shift_right_logical3A_5 = arith.shrui %get3A_3, %shift_right_logical3A_4 : vector<16xi32>
    %swap3A = arith.constant 0 : index
    %swap3A_6 = tpu.vector_load %arg10[%swap3A] {strides = array<i32>} : memref<512xi32, #tpu.memory_space<vmem>>, vector<16xi32>,
    tpu.vector_store %arg10[%swap3A], %shift_right_logical3A_5 {strides = array<i32>} : memref<512xi32, #tpu.memory_space<vmem>>, vector<16xi32>,
    %get3A_7 = arith.constant 0 : index
    %get3A_8 = tpu.vector_load %arg9[%get3A_7] {strides = array<i32>} : memref<512xi32, #tpu.memory_space<vmem>>, vector<16xi32>,
    %shift_right_logical3A_9 = arith.constant 4 : i32
    %shift_right_logical3A_10 = vector.broadcast %shift_right_logical3A_9 : i32 to vector<16xi32>
    %shift_right_logical3A_11 = arith.shrui %get3A_8, %shift_right_logical3A_10 : vector<16xi32>
    %swap3A_12 = arith.constant 0 : index
    %swap3A_13 = tpu.vector_load %arg11[%swap3A_12] {strides = array<i32>} : memref<512xi32, #tpu.memory_space<vmem>>, vector<16xi32>,
    tpu.vector_store %arg11[%swap3A_12], %shift_right_logical3A_11 {strides = array<i32>} : memref<512xi32, #tpu.memory_space<vmem>>, vector<16xi32>,
    %get3A_14 = arith.constant 16 : index
    %get3A_15 = tpu.vector_load %arg8[%get3A_14] {strides = array<i32>} : memref<512xi32, #tpu.memory_space<vmem>>, vector<16xi32>,
    %shift_right_logical3A_16 = arith.constant 4 : i32
    %shift_right_logical3A_17 = vector.broadcast %shift_right_logical3A_16 : i32 to vector<16xi32>
    %shift_right_logical3A_18 = arith.shrui %get3A_15, %shift_right_logical3A_17 : vector<16xi32>
    %swap3A_19 = arith.constant 16 : index
    %swap3A_20 = tpu.vector_load %arg10[%swap3A_19] {strides = array<i32>} : memref<512xi32, #tpu.memory_space<vmem>>, vector<16xi32>,
    tpu.vector_store %arg10[%swap3A_19], %shift_right_logical3A_18 {strides = array<i32>} : memref<512xi32, #tpu.memory_space<vmem>>, vector<16xi32>,
    %get3A_21 = arith.constant 16 : index
    %get3A_22 = tpu.vector_load %arg9[%get3A_21] {strides = array<i32>} : memref<512xi32, #tpu.memory_space<vmem>>, vector<16xi32>,
    %shift_right_logical3A_23 = arith.constant 4 : i32
    %shift_right_logical3A_24 = vector.broadcast %shift_right_logical3A_23 : i32 to vector<16xi32>
    %shift_right_logical3A_25 = arith.shrui %get3A_22, %shift_right_logical3A_24 : vector<16xi32>
    %swap3A_26 = arith.constant 16 : index
    %swap3A_27 = tpu.vector_load %arg11[%swap3A_26] {strides = array<i32>} : memref<512xi32, #tpu.memory_space<vmem>>, vector<16xi32>,
    tpu.vector_store %arg11[%swap3A_26], %shift_right_logical3A_25 {strides = array<i32>} : memref<512xi32, #tpu.memory_space<vmem>>, vector<16xi32>,
    %get3A_28 = arith.constant 32 : index
    %get3A_29 = tpu.vector_load %arg8[%get3A_28] {strides = array<i32>} : memref<512xi32, #tpu.memory_space<vmem>>, vector<16xi32>,
    %shift_right_logical3A_30 = arith.constant 4 : i32
    %shift_right_logical3A_31 = vector.broadcast %shift_right_logical3A_30 : i32 to vector<16xi32>
    %shift_right_logical3A_32 = arith.shrui %get3A_29, %shift_right_logical3A_31 : vector<16xi32>
    %swap3A_33 = arith.constant 32 : index
    %swap3A_34 = tpu.vector_load %arg10[%swap3A_33] {strides = array<i32>} : memref<512xi32, #tpu.memory_space<vmem>>, vector<16xi32>,
    tpu.vector_store %arg10[%swap3A_33], %shift_right_logical3A_32 {strides = array<i32>} : memref<512xi32, #tpu.memory_space<vmem>>, vector<16xi32>,
    %get3A_35 = arith.constant 32 : index
    %get3A_36 = tpu.vector_load %arg9[%get3A_35] {strides = array<i32>} : memref<512xi32, #tpu.memory_space<vmem>>, vector<16xi32>,
    %shift_right_logical3A_37 = arith.constant 4 : i32
    %shift_right_logical3A_38 = vector.broadcast %shift_right_logical3A_37 : i32 to vector<16xi32>
    %shift_right_logical3A_39 = arith.shrui %get3A_36, %shift_right_logical3A_38 : vector<16xi32>
    %swap3A_40 = arith.constant 32 : index
    %swap3A_41 = tpu.vector_load %arg11[%swap3A_40] {strides = array<i32>} : memref<512xi32, #tpu.memory_space<vmem>>, vector<16xi32>,
    tpu.vector_store %arg11[%swap3A_40], %shift_right_logical3A_39 {strides = array<i32>} : memref<512xi32, #tpu.memory_space<vmem>>, vector<16xi32>,
    %get3A_42 = arith.constant 48 : index
    %get3A_43 = tpu.vector_load %arg8[%get3A_42] {strides = array<i32>} : memref<512xi32, #tpu.memory_space<vmem>>, vector<16xi32>,
    %shift_right_logical3A_44 = arith.constant 4 : i32
    %shift_right_logical3A_45 = vector.broadcast %shift_right_logical3A_44 : i32 to vector<16xi32>
    %shift_right_logical3A_46 = arith.shrui %get3A_43, %shift_right_logical3A_45 : vector<16xi32>
    %swap3A_47 = arith.constant 48 : index
    %swap3A_48 = tpu.vector_load %arg10[%swap3A_47] {strides = array<i32>} : memref<512xi32, #tpu.memory_space<vmem>>, vector<16xi32>,
    tpu.vector_store %arg10[%swap3A_47], %shift_right_logical3A_46 {strides = array<i32>} : memref<512xi32, #tpu.memory_space<vmem>>, vector<16xi32>,
    %get3A_49 = arith.constant 48 : index
    %get3A_50 = tpu.vector_load %arg9[%get3A_49] {strides = array<i32>} : memref<512xi32, #tpu.memory_space<vmem>>, vector<16xi32>,
    %shift_right_logical3A_51 = arith.constant 4 : i32
    %shift_right_logical3A_52 = vector.broadcast %shift_right_logical3A_51 : i32 to vector<16xi32>
    %shift_right_logical3A_53 = arith.shrui %get3A_50, %shift_right_logical3A_52 : vector<16xi32>
    %swap3A_54 = arith.constant 48 : index
    %swap3A_55 = tpu.vector_load %arg11[%swap3A_54] {strides = array<i32>} : memref<512xi32, #tpu.memory_space<vmem>>, vector<16xi32>,
    tpu.vector_store %arg11[%swap3A_54], %shift_right_logical3A_53 {strides = array<i32>} : memref<512xi32, #tpu.memory_space<vmem>>, vector<16xi32>,
    %get3A_56 = arith.constant 64 : index
    %get3A_57 = tpu.vector_load %arg8[%get3A_56] {strides = array<i32>} : memref<512xi32, #tpu.memory_space<vmem>>, vector<16xi32>,
    %shift_right_logical3A_58 = arith.constant 4 : i32
    %shift_right_logical3A_59 = vector.broadcast %shift_right_logical3A_58 : i32 to vector<16xi32>
    %shift_right_logical3A_60 = arith.shrui %get3A_57, %shift_right_logical3A_59 : vector<16xi32>
    %swap3A_61 = arith.constant 64 : index
    %swap3A_62 = tpu.vector_load %arg10[%swap3A_61] {strides = array<i32>} : memref<512xi32, #tpu.memory_space<vmem>>, vector<16xi32>,
    tpu.vector_store %arg10[%swap3A_61], %shift_right_logical3A_60 {strides = array<i32>} : memref<512xi32, #tpu.memory_space<vmem>>, vector<16xi32>,
    %get3A_63 = arith.constant 64 : index
    %get3A_64 = tpu.vector_load %arg9[%get3A_63] {strides = array<i32>} : memref<512xi32, #tpu.memory_space<vmem>>, vector<16xi32>,
    %shift_right_logical3A_65 = arith.constant 4 : i32
    %shift_right_logical3A_66 = vector.broadcast %shift_right_logical3A_65 : i32 to vector<16xi32>
    %shift_right_logical3A_67 = arith.shrui %get3A_64, %shift_right_logical3A_66 : vector<16xi32>
    %swap3A_68 = arith.constant 64 : index
    %swap3A_69 = tpu.vector_load %arg11[%swap3A_68] {strides = array<i32>} : memref<512xi32, #tpu.memory_space<vmem>>, vector<16xi32>,
    tpu.vector_store %arg11[%swap3A_68], %shift_right_logical3A_67 {strides = array<i32>} : memref<512xi32, #tpu.memory_space<vmem>>, vector<16xi32>,
    %get3A_70 = arith.constant 80 : index
    %get3A_71 = tpu.vector_load %arg8[%get3A_70] {strides = array<i32>} : memref<512xi32, #tpu.memory_space<vmem>>, vector<16xi32>,
    %shift_right_logical3A_72 = arith.constant 4 : i32
    %shift_right_logical3A_73 = vector.broadcast %shift_right_logical3A_72 : i32 to vector<16xi32>
    %shift_right_logical3A_74 = arith.shrui %get3A_71, %shift_right_logical3A_73 : vector<16xi32>
    %swap3A_75 = arith.constant 80 : index
    %swap3A_76 = tpu.vector_load %arg10[%swap3A_75] {strides = array<i32>} : memref<512xi32, #tpu.memory_space<vmem>>, vector<16xi32>,
    tpu.vector_store %arg10[%swap3A_75], %shift_right_logical3A_74 {strides = array<i32>} : memref<512xi32, #tpu.memory_space<vmem>>, vector<16xi32>,
    %get3A_77 = arith.constant 80 : index
    %get3A_78 = tpu.vector_load %arg9[%get3A_77] {strides = array<i32>} : memref<512xi32, #tpu.memory_space<vmem>>, vector<16xi32>,
    %shift_right_logical3A_79 = arith.constant 4 : i32
    %shift_right_logical3A_80 = vector.broadcast %shift_right_logical3A_79 : i32 to vector<16xi32>
    %shift_right_logical3A_81 = arith.shrui %get3A_78, %shift_right_logical3A_80 : vector<16xi32>
    %swap3A_82 = arith.constant 80 : index
    %swap3A_83 = tpu.vector_load %arg11[%swap3A_82] {strides = array<i32>} : memref<512xi32, #tpu.memory_space<vmem>>, vector<16xi32>,
    tpu.vector_store %arg11[%swap3A_82], %shift_right_logical3A_81 {strides = array<i32>} : memref<512xi32, #tpu.memory_space<vmem>>, vector<16xi32>,
    %get3A_84 = arith.constant 96 : index
    %get3A_85 = tpu.vector_load %arg8[%get3A_84] {strides = array<i32>} : memref<512xi32, #tpu.memory_space<vmem>>, vector<16xi32>,
    %shift_right_logical3A_86 = arith.constant 4 : i32
    %shift_right_logical3A_87 = vector.broadcast %shift_right_logical3A_86 : i32 to vector<16xi32>
    %shift_right_logical3A_88 = arith.shrui %get3A_85, %shift_right_logical3A_87 : vector<16xi32>
    %swap3A_89 = arith.constant 96 : index
    %swap3A_90 = tpu.vector_load %arg10[%swap3A_89] {strides = array<i32>} : memref<512xi32, #tpu.memory_space<vmem>>, vector<16xi32>,
    tpu.vector_store %arg10[%swap3A_89], %shift_right_logical3A_88 {strides = array<i32>} : memref<512xi32, #tpu.memory_space<vmem>>, vector<16xi32>,
    %get3A_91 = arith.constant 96 : index
    %get3A_92 = tpu.vector_load %arg9[%get3A_91] {strides = array<i32>} : memref<512xi32, #tpu.memory_space<vmem>>, vector<16xi32>,
    %shift_right_logical3A_93 = arith.constant 4 : i32
    %shift_right_logical3A_94 = vector.broadcast %shift_right_logical3A_93 : i32 to vector<16xi32>
    %shift_right_logical3A_95 = arith.shrui %get3A_92, %shift_right_logical3A_94 : vector<16xi32>
    %swap3A_96 = arith.constant 96 : index
    %swap3A_97 = tpu.vector_load %arg11[%swap3A_96] {strides = array<i32>} : memref<512xi32, #tpu.memory_space<vmem>>, vector<16xi32>,
    tpu.vector_store %arg11[%swap3A_96], %shift_right_logical3A_95 {strides = array<i32>} : memref<512xi32, #tpu.memory_space<vmem>>, vector<16xi32>,
    %get3A_98 = arith.constant 112 : index
    %get3A_99 = tpu.vector_load %arg8[%get3A_98] {strides = array<i32>} : memref<512xi32, #tpu.memory_space<vmem>>, vector<16xi32>,
    %shift_right_logical3A_100 = arith.constant 4 : i32
    %shift_right_logical3A_101 = vector.broadcast %shift_right_logical3A_100 : i32 to vector<16xi32>
    %shift_right_logical3A_102 = arith.shrui %get3A_99, %shift_right_logical3A_101 : vector<16xi32>
    %swap3A_103 = arith.constant 112 : index
    %swap3A_104 = tpu.vector_load %arg10[%swap3A_103] {strides = array<i32>} : memref<512xi32, #tpu.memory_space<vmem>>, vector<16xi32>,
    tpu.vector_store %arg10[%swap3A_103], %shift_right_logical3A_102 {strides = array<i32>} : memref<512xi32, #tpu.memory_space<vmem>>, vector<16xi32>,
    %get3A_105 = arith.constant 112 : index
    %get3A_106 = tpu.vector_load %arg9[%get3A_105] {strides = array<i32>} : memref<512xi32, #tpu.memory_space<vmem>>, vector<16xi32>,
    %shift_right_logical3A_107 = arith.constant 4 : i32
    %shift_right_logical3A_108 = vector.broadcast %shift_right_logical3A_107 : i32 to vector<16xi32>
    %shift_right_logical3A_109 = arith.shrui %get3A_106, %shift_right_logical3A_108 : vector<16xi32>
    %swap3A_110 = arith.constant 112 : index
    %swap3A_111 = tpu.vector_load %arg11[%swap3A_110] {strides = array<i32>} : memref<512xi32, #tpu.memory_space<vmem>>, vector<16xi32>,
    tpu.vector_store %arg11[%swap3A_110], %shift_right_logical3A_109 {strides = array<i32>} : memref<512xi32, #tpu.memory_space<vmem>>, vector<16xi32>,
    %get3A_112 = arith.constant 128 : index
    %get3A_113 = tpu.vector_load %arg8[%get3A_112] {strides = array<i32>} : memref<512xi32, #tpu.memory_space<vmem>>, vector<16xi32>,
    %shift_right_logical3A_114 = arith.constant 4 : i32
    %shift_right_logical3A_115 = vector.broadcast %shift_right_logical3A_114 : i32 to vector<16xi32>
    %shift_right_logical3A_116 = arith.shrui %get3A_113, %shift_right_logical3A_115 : vector<16xi32>
    %swap3A_117 = arith.constant 128 : index
    %swap3A_118 = tpu.vector_load %arg10[%swap3A_117] {strides = array<i32>} : memref<512xi32, #tpu.memory_space<vmem>>, vector<16xi32>,
    tpu.vector_store %arg10[%swap3A_117], %shift_right_logical3A_116 {strides = array<i32>} : memref<512xi32, #tpu.memory_space<vmem>>, vector<16xi32>,
    %get3A_119 = arith.constant 128 : index
    %get3A_120 = tpu.vector_load %arg9[%get3A_119] {strides = array<i32>} : memref<512xi32, #tpu.memory_space<vmem>>, vector<16xi32>,
    %shift_right_logical3A_121 = arith.constant 4 : i32
    %shift_right_logical3A_122 = vector.broadcast %shift_right_logical3A_121 : i32 to vector<16xi32>
    %shift_right_logical3A_123 = arith.shrui %get3A_120, %shift_right_logical3A_122 : vector<16xi32>
    %swap3A_124 = arith.constant 128 : index
    %swap3A_125 = tpu.vector_load %arg11[%swap3A_124] {strides = array<i32>} : memref<512xi32, #tpu.memory_space<vmem>>, vector<16xi32>,
    tpu.vector_store %arg11[%swap3A_124], %shift_right_logical3A_123 {strides = array<i32>} : memref<512xi32, #tpu.memory_space<vmem>>, vector<16xi32>,
    %get3A_126 = arith.constant 144 : index
    %get3A_127 = tpu.vector_load %arg8[%get3A_126] {strides = array<i32>} : memref<512xi32, #tpu.memory_space<vmem>>, vector<16xi32>,
    %shift_right_logical3A_128 = arith.constant 4 : i32
    %shift_right_logical3A_129 = vector.broadcast %shift_right_logical3A_128 : i32 to vector<16xi32>
    %shift_right_logical3A_130 = arith.shrui %get3A_127, %shift_right_logical3A_129 : vector<16xi32>
    %swap3A_131 = arith.constant 144 : index
    %swap3A_132 = tpu.vector_load %arg10[%swap3A_131] {strides = array<i32>} : memref<512xi32, #tpu.memory_space<vmem>>, vector<16xi32>,
    tpu.vector_store %arg10[%swap3A_131], %shift_right_logical3A_130 {strides = array<i32>} : memref<512xi32, #tpu.memory_space<vmem>>, vector<16xi32>,
    %get3A_133 = arith.constant 144 : index
    %get3A_134 = tpu.vector_load %arg9[%get3A_133] {strides = array<i32>} : memref<512xi32, #tpu.memory_space<vmem>>, vector<16xi32>,
    %shift_right_logical3A_135 = arith.constant 4 : i32
    %shift_right_logical3A_136 = vector.broadcast %shift_right_logical3A_135 : i32 to vector<16xi32>
    %shift_right_logical3A_137 = arith.shrui %get3A_134, %shift_right_logical3A_136 : vector<16xi32>
    %swap3A_138 = arith.constant 144 : index
    %swap3A_139 = tpu.vector_load %arg11[%swap3A_138] {strides = array<i32>} : memref<512xi32, #tpu.memory_space<vmem>>, vector<16xi32>,
    tpu.vector_store %arg11[%swap3A_138], %shift_right_logical3A_137 {strides = array<i32>} : memref<512xi32, #tpu.memory_space<vmem>>, vector<16xi32>,
    %get3A_140 = arith.constant 160 : index
    %get3A_141 = tpu.vector_load %arg8[%get3A_140] {strides = array<i32>} : memref<512xi32, #tpu.memory_space<vmem>>, vector<16xi32>,
    %shift_right_logical3A_142 = arith.constant 4 : i32
    %shift_right_logical3A_143 = vector.broadcast %shift_right_logical3A_142 : i32 to vector<16xi32>
    %shift_right_logical3A_144 = arith.shrui %get3A_141, %shift_right_logical3A_143 : vector<16xi32>
    %swap3A_145 = arith.constant 160 : index
    %swap3A_146 = tpu.vector_load %arg10[%swap3A_145] {strides = array<i32>} : memref<512xi32, #tpu.memory_space<vmem>>, vector<16xi32>,
    tpu.vector_store %arg10[%swap3A_145], %shift_right_logical3A_144 {strides = array<i32>} : memref<512xi32, #tpu.memory_space<vmem>>, vector<16xi32>,
    %get3A_147 = arith.constant 160 : index
    %get3A_148 = tpu.vector_load %arg9[%get3A_147] {strides = array<i32>} : memref<512xi32, #tpu.memory_space<vmem>>, vector<16xi32>,
    %shift_right_logical3A_149 = arith.constant 4 : i32
    %shift_right_logical3A_150 = vector.broadcast %shift_right_logical3A_149 : i32 to vector<16xi32>
    %shift_right_logical3A_151 = arith.shrui %get3A_148, %shift_right_logical3A_150 : vector<16xi32>
    %swap3A_152 = arith.constant 160 : index
    %swap3A_153 = tpu.vector_load %arg11[%swap3A_152] {strides = array<i32>} : memref<512xi32, #tpu.memory_space<vmem>>, vector<16xi32>,
    tpu.vector_store %arg11[%swap3A_152], %shift_right_logical3A_151 {strides = array<i32>} : memref<512xi32, #tpu.memory_space<vmem>>, vector<16xi32>,
    %get3A_154 = arith.constant 176 : index
    %get3A_155 = tpu.vector_load %arg8[%get3A_154] {strides = array<i32>} : memref<512xi32, #tpu.memory_space<vmem>>, vector<16xi32>,
    %shift_right_logical3A_156 = arith.constant 4 : i32
    %shift_right_logical3A_157 = vector.broadcast %shift_right_logical3A_156 : i32 to vector<16xi32>
    %shift_right_logical3A_158 = arith.shrui %get3A_155, %shift_right_logical3A_157 : vector<16xi32>
    %swap3A_159 = arith.constant 176 : index
    %swap3A_160 = tpu.vector_load %arg10[%swap3A_159] {strides = array<i32>} : memref<512xi32, #tpu.memory_space<vmem>>, vector<16xi32>,
    tpu.vector_store %arg10[%swap3A_159], %shift_right_logical3A_158 {strides = array<i32>} : memref<512xi32, #tpu.memory_space<vmem>>, vector<16xi32>,
    %get3A_161 = arith.constant 176 : index
    %get3A_162 = tpu.vector_load %arg9[%get3A_161] {strides = array<i32>} : memref<512xi32, #tpu.memory_space<vmem>>, vector<16xi32>,
    %shift_right_logical3A_163 = arith.constant 4 : i32
    %shift_right_logical3A_164 = vector.broadcast %shift_right_logical3A_163 : i32 to vector<16xi32>
    %shift_right_logical3A_165 = arith.shrui %get3A_162, %shift_right_logical3A_164 : vector<16xi32>
    %swap3A_166 = arith.constant 176 : index
    %swap3A_167 = tpu.vector_load %arg11[%swap3A_166] {strides = array<i32>} : memref<512xi32, #tpu.memory_space<vmem>>, vector<16xi32>,
    tpu.vector_store %arg11[%swap3A_166], %shift_right_logical3A_165 {strides = array<i32>} : memref<512xi32, #tpu.memory_space<vmem>>, vector<16xi32>,
    %get3A_168 = arith.constant 192 : index
    %get3A_169 = tpu.vector_load %arg8[%get3A_168] {strides = array<i32>} : memref<512xi32, #tpu.memory_space<vmem>>, vector<16xi32>,
    %shift_right_logical3A_170 = arith.constant 4 : i32
    %shift_right_logical3A_171 = vector.broadcast %shift_right_logical3A_170 : i32 to vector<16xi32>
    %shift_right_logical3A_172 = arith.shrui %get3A_169, %shift_right_logical3A_171 : vector<16xi32>
    %swap3A_173 = arith.constant 192 : index
    %swap3A_174 = tpu.vector_load %arg10[%swap3A_173] {strides = array<i32>} : memref<512xi32, #tpu.memory_space<vmem>>, vector<16xi32>,
    tpu.vector_store %arg10[%swap3A_173], %shift_right_logical3A_172 {strides = array<i32>} : memref<512xi32, #tpu.memory_space<vmem>>, vector<16xi32>,
    %get3A_175 = arith.constant 192 : index
    %get3A_176 = tpu.vector_load %arg9[%get3A_175] {strides = array<i32>} : memref<512xi32, #tpu.memory_space<vmem>>, vector<16xi32>,
    %shift_right_logical3A_177 = arith.constant 4 : i32
    %shift_right_logical3A_178 = vector.broadcast %shift_right_logical3A_177 : i32 to vector<16xi32>
    %shift_right_logical3A_179 = arith.shrui %get3A_176, %shift_right_logical3A_178 : vector<16xi32>
    %swap3A_180 = arith.constant 192 : index
    %swap3A_181 = tpu.vector_load %arg11[%swap3A_180] {strides = array<i32>} : memref<512xi32, #tpu.memory_space<vmem>>, vector<16xi32>,
    tpu.vector_store %arg11[%swap3A_180], %shift_right_logical3A_179 {strides = array<i32>} : memref<512xi32, #tpu.memory_space<vmem>>, vector<16xi32>,
    %get3A_182 = arith.constant 208 : index
    %get3A_183 = tpu.vector_load %arg8[%get3A_182] {strides = array<i32>} : memref<512xi32, #tpu.memory_space<vmem>>, vector<16xi32>,
    %shift_right_logical3A_184 = arith.constant 4 : i32
    %shift_right_logical3A_185 = vector.broadcast %shift_right_logical3A_184 : i32 to vector<16xi32>
    %shift_right_logical3A_186 = arith.shrui %get3A_183, %shift_right_logical3A_185 : vector<16xi32>
    %swap3A_187 = arith.constant 208 : index
    %swap3A_188 = tpu.vector_load %arg10[%swap3A_187] {strides = array<i32>} : memref<512xi32, #tpu.memory_space<vmem>>, vector<16xi32>,
    tpu.vector_store %arg10[%swap3A_187], %shift_right_logical3A_186 {strides = array<i32>} : memref<512xi32, #tpu.memory_space<vmem>>, vector<16xi32>,
    %get3A_189 = arith.constant 208 : index
    %get3A_190 = tpu.vector_load %arg9[%get3A_189] {strides = array<i32>} : memref<512xi32, #tpu.memory_space<vmem>>, vector<16xi32>,
    %shift_right_logical3A_191 = arith.constant 4 : i32
    %shift_right_logical3A_192 = vector.broadcast %shift_right_logical3A_191 : i32 to vector<16xi32>
    %shift_right_logical3A_193 = arith.shrui %get3A_190, %shift_right_logical3A_192 : vector<16xi32>
    %swap3A_194 = arith.constant 208 : index
    %swap3A_195 = tpu.vector_load %arg11[%swap3A_194] {strides = array<i32>} : memref<512xi32, #tpu.memory_space<vmem>>, vector<16xi32>,
    tpu.vector_store %arg11[%swap3A_194], %shift_right_logical3A_193 {strides = array<i32>} : memref<512xi32, #tpu.memory_space<vmem>>, vector<16xi32>,
    %get3A_196 = arith.constant 224 : index
    %get3A_197 = tpu.vector_load %arg8[%get3A_196] {strides = array<i32>} : memref<512xi32, #tpu.memory_space<vmem>>, vector<16xi32>,
    %shift_right_logical3A_198 = arith.constant 4 : i32
    %shift_right_logical3A_199 = vector.broadcast %shift_right_logical3A_198 : i32 to vector<16xi32>
    %shift_right_logical3A_200 = arith.shrui %get3A_197, %shift_right_logical3A_199 : vector<16xi32>
    %swap3A_201 = arith.constant 224 : index
    %swap3A_202 = tpu.vector_load %arg10[%swap3A_201] {strides = array<i32>} : memref<512xi32, #tpu.memory_space<vmem>>, vector<16xi32>,
    tpu.vector_store %arg10[%swap3A_201], %shift_right_logical3A_200 {strides = array<i32>} : memref<512xi32, #tpu.memory_space<vmem>>, vector<16xi32>,
    %get3A_203 = arith.constant 224 : index
    %get3A_204 = tpu.vector_load %arg9[%get3A_203] {strides = array<i32>} : memref<512xi32, #tpu.memory_space<vmem>>, vector<16xi32>,
    %shift_right_logical3A_205 = arith.constant 4 : i32
    %shift_right_logical3A_206 = vector.broadcast %shift_right_logical3A_205 : i32 to vector<16xi32>
    %shift_right_logical3A_207 = arith.shrui %get3A_204, %shift_right_logical3A_206 : vector<16xi32>
    %swap3A_208 = arith.constant 224 : index
    %swap3A_209 = tpu.vector_load %arg11[%swap3A_208] {strides = array<i32>} : memref<512xi32, #tpu.memory_space<vmem>>, vector<16xi32>,
    tpu.vector_store %arg11[%swap3A_208], %shift_right_logical3A_207 {strides = array<i32>} : memref<512xi32, #tpu.memory_space<vmem>>, vector<16xi32>,
    %get3A_210 = arith.constant 240 : index
    %get3A_211 = tpu.vector_load %arg8[%get3A_210] {strides = array<i32>} : memref<512xi32, #tpu.memory_space<vmem>>, vector<16xi32>,
    %shift_right_logical3A_212 = arith.constant 4 : i32
    %shift_right_logical3A_213 = vector.broadcast %shift_right_logical3A_212 : i32 to vector<16xi32>
    %shift_right_logical3A_214 = arith.shrui %get3A_211, %shift_right_logical3A_213 : vector<16xi32>
    %swap3A_215 = arith.constant 240 : index
    %swap3A_216 = tpu.vector_load %arg10[%swap3A_215] {strides = array<i32>} : memref<512xi32, #tpu.memory_space<vmem>>, vector<16xi32>,
    tpu.vector_store %arg10[%swap3A_215], %shift_right_logical3A_214 {strides = array<i32>} : memref<512xi32, #tpu.memory_space<vmem>>, vector<16xi32>,
    %get3A_217 = arith.constant 240 : index
    %get3A_218 = tpu.vector_load %arg9[%get3A_217] {strides = array<i32>} : memref<512xi32, #tpu.memory_space<vmem>>, vector<16xi32>,
    %shift_right_logical3A_219 = arith.constant 4 : i32
    %shift_right_logical3A_220 = vector.broadcast %shift_right_logical3A_219 : i32 to vector<16xi32>
    %shift_right_logical3A_221 = arith.shrui %get3A_218, %shift_right_logical3A_220 : vector<16xi32>
    %swap3A_222 = arith.constant 240 : index
    %swap3A_223 = tpu.vector_load %arg11[%swap3A_222] {strides = array<i32>} : memref<512xi32, #tpu.memory_space<vmem>>, vector<16xi32>,
    tpu.vector_store %arg11[%swap3A_222], %shift_right_logical3A_221 {strides = array<i32>} : memref<512xi32, #tpu.memory_space<vmem>>, vector<16xi32>,
    %get3A_224 = arith.constant 256 : index
    %get3A_225 = tpu.vector_load %arg8[%get3A_224] {strides = array<i32>} : memref<512xi32, #tpu.memory_space<vmem>>, vector<16xi32>,
    %shift_right_logical3A_226 = arith.constant 4 : i32
    %shift_right_logical3A_227 = vector.broadcast %shift_right_logical3A_226 : i32 to vector<16xi32>
    %shift_right_logical3A_228 = arith.shrui %get3A_225, %shift_right_logical3A_227 : vector<16xi32>
    %swap3A_229 = arith.constant 256 : index
    %swap3A_230 = tpu.vector_load %arg10[%swap3A_229] {strides = array<i32>} : memref<512xi32, #tpu.memory_space<vmem>>, vector<16xi32>,
    tpu.vector_store %arg10[%swap3A_229], %shift_right_logical3A_228 {strides = array<i32>} : memref<512xi32, #tpu.memory_space<vmem>>, vector<16xi32>,
    %get3A_231 = arith.constant 256 : index
    %get3A_232 = tpu.vector_load %arg9[%get3A_231] {strides = array<i32>} : memref<512xi32, #tpu.memory_space<vmem>>, vector<16xi32>,
    %shift_right_logical3A_233 = arith.constant 4 : i32
    %shift_right_logical3A_234 = vector.broadcast %shift_right_logical3A_233 : i32 to vector<16xi32>
    %shift_right_logical3A_235 = arith.shrui %get3A_232, %shift_right_logical3A_234 : vector<16xi32>
    %swap3A_236 = arith.constant 256 : index
    %swap3A_237 = tpu.vector_load %arg11[%swap3A_236] {strides = array<i32>} : memref<512xi32, #tpu.memory_space<vmem>>, vector<16xi32>,
    tpu.vector_store %arg11[%swap3A_236], %shift_right_logical3A_235 {strides = array<i32>} : memref<512xi32, #tpu.memory_space<vmem>>, vector<16xi32>,
    %get3A_238 = arith.constant 272 : index
    %get3A_239 = tpu.vector_load %arg8[%get3A_238] {strides = array<i32>} : memref<512xi32, #tpu.memory_space<vmem>>, vector<16xi32>,
    %shift_right_logical3A_240 = arith.constant 4 : i32
    %shift_right_logical3A_241 = vector.broadcast %shift_right_logical3A_240 : i32 to vector<16xi32>
    %shift_right_logical3A_242 = arith.shrui %get3A_239, %shift_right_logical3A_241 : vector<16xi32>
    %swap3A_243 = arith.constant 272 : index
    %swap3A_244 = tpu.vector_load %arg10[%swap3A_243] {strides = array<i32>} : memref<512xi32, #tpu.memory_space<vmem>>, vector<16xi32>,
    tpu.vector_store %arg10[%swap3A_243], %shift_right_logical3A_242 {strides = array<i32>} : memref<512xi32, #tpu.memory_space<vmem>>, vector<16xi32>,
    %get3A_245 = arith.constant 272 : index
    %get3A_246 = tpu.vector_load %arg9[%get3A_245] {strides = array<i32>} : memref<512xi32, #tpu.memory_space<vmem>>, vector<16xi32>,
    %shift_right_logical3A_247 = arith.constant 4 : i32
    %shift_right_logical3A_248 = vector.broadcast %shift_right_logical3A_247 : i32 to vector<16xi32>
    %shift_right_logical3A_249 = arith.shrui %get3A_246, %shift_right_logical3A_248 : vector<16xi32>
    %swap3A_250 = arith.constant 272 : index
    %swap3A_251 = tpu.vector_load %arg11[%swap3A_250] {strides = array<i32>} : memref<512xi32, #tpu.memory_space<vmem>>, vector<16xi32>,
    tpu.vector_store %arg11[%swap3A_250], %shift_right_logical3A_249 {strides = array<i32>} : memref<512xi32, #tpu.memory_space<vmem>>, vector<16xi32>,
    %get3A_252 = arith.constant 288 : index
    %get3A_253 = tpu.vector_load %arg8[%get3A_252] {strides = array<i32>} : memref<512xi32, #tpu.memory_space<vmem>>, vector<16xi32>,
    %shift_right_logical3A_254 = arith.constant 4 : i32
    %shift_right_logical3A_255 = vector.broadcast %shift_right_logical3A_254 : i32 to vector<16xi32>
    %shift_right_logical3A_256 = arith.shrui %get3A_253, %shift_right_logical3A_255 : vector<16xi32>
    %swap3A_257 = arith.constant 288 : index
    %swap3A_258 = tpu.vector_load %arg10[%swap3A_257] {strides = array<i32>} : memref<512xi32, #tpu.memory_space<vmem>>, vector<16xi32>,
    tpu.vector_store %arg10[%swap3A_257], %shift_right_logical3A_256 {strides = array<i32>} : memref<512xi32, #tpu.memory_space<vmem>>, vector<16xi32>,
    %get3A_259 = arith.constant 288 : index
    %get3A_260 = tpu.vector_load %arg9[%get3A_259] {strides = array<i32>} : memref<512xi32, #tpu.memory_space<vmem>>, vector<16xi32>,
    %shift_right_logical3A_261 = arith.constant 4 : i32
    %shift_right_logical3A_262 = vector.broadcast %shift_right_logical3A_261 : i32 to vector<16xi32>
    %shift_right_logical3A_263 = arith.shrui %get3A_260, %shift_right_logical3A_262 : vector<16xi32>
    %swap3A_264 = arith.constant 288 : index
    %swap3A_265 = tpu.vector_load %arg11[%swap3A_264] {strides = array<i32>} : memref<512xi32, #tpu.memory_space<vmem>>, vector<16xi32>,
    tpu.vector_store %arg11[%swap3A_264], %shift_right_logical3A_263 {strides = array<i32>} : memref<512xi32, #tpu.memory_space<vmem>>, vector<16xi32>,
    %get3A_266 = arith.constant 304 : index
    %get3A_267 = tpu.vector_load %arg8[%get3A_266] {strides = array<i32>} : memref<512xi32, #tpu.memory_space<vmem>>, vector<16xi32>,
    %shift_right_logical3A_268 = arith.constant 4 : i32
    %shift_right_logical3A_269 = vector.broadcast %shift_right_logical3A_268 : i32 to vector<16xi32>
    %shift_right_logical3A_270 = arith.shrui %get3A_267, %shift_right_logical3A_269 : vector<16xi32>
    %swap3A_271 = arith.constant 304 : index
    %swap3A_272 = tpu.vector_load %arg10[%swap3A_271] {strides = array<i32>} : memref<512xi32, #tpu.memory_space<vmem>>, vector<16xi32>,
    tpu.vector_store %arg10[%swap3A_271], %shift_right_logical3A_270 {strides = array<i32>} : memref<512xi32, #tpu.memory_space<vmem>>, vector<16xi32>,
    %get3A_273 = arith.constant 304 : index
    %get3A_274 = tpu.vector_load %arg9[%get3A_273] {strides = array<i32>} : memref<512xi32, #tpu.memory_space<vmem>>, vector<16xi32>,
    %shift_right_logical3A_275 = arith.constant 4 : i32
    %shift_right_logical3A_276 = vector.broadcast %shift_right_logical3A_275 : i32 to vector<16xi32>
    %shift_right_logical3A_277 = arith.shrui %get3A_274, %shift_right_logical3A_276 : vector<16xi32>
    %swap3A_278 = arith.constant 304 : index
    %swap3A_279 = tpu.vector_load %arg11[%swap3A_278] {strides = array<i32>} : memref<512xi32, #tpu.memory_space<vmem>>, vector<16xi32>,
    tpu.vector_store %arg11[%swap3A_278], %shift_right_logical3A_277 {strides = array<i32>} : memref<512xi32, #tpu.memory_space<vmem>>, vector<16xi32>,
    %get3A_280 = arith.constant 320 : index
    %get3A_281 = tpu.vector_load %arg8[%get3A_280] {strides = array<i32>} : memref<512xi32, #tpu.memory_space<vmem>>, vector<16xi32>,
    %shift_right_logical3A_282 = arith.constant 4 : i32
    %shift_right_logical3A_283 = vector.broadcast %shift_right_logical3A_282 : i32 to vector<16xi32>
    %shift_right_logical3A_284 = arith.shrui %get3A_281, %shift_right_logical3A_283 : vector<16xi32>
    %swap3A_285 = arith.constant 320 : index
    %swap3A_286 = tpu.vector_load %arg10[%swap3A_285] {strides = array<i32>} : memref<512xi32, #tpu.memory_space<vmem>>, vector<16xi32>,
    tpu.vector_store %arg10[%swap3A_285], %shift_right_logical3A_284 {strides = array<i32>} : memref<512xi32, #tpu.memory_space<vmem>>, vector<16xi32>,
    %get3A_287 = arith.constant 320 : index
    %get3A_288 = tpu.vector_load %arg9[%get3A_287] {strides = array<i32>} : memref<512xi32, #tpu.memory_space<vmem>>, vector<16xi32>,
    %shift_right_logical3A_289 = arith.constant 4 : i32
    %shift_right_logical3A_290 = vector.broadcast %shift_right_logical3A_289 : i32 to vector<16xi32>
    %shift_right_logical3A_291 = arith.shrui %get3A_288, %shift_right_logical3A_290 : vector<16xi32>
    %swap3A_292 = arith.constant 320 : index
    %swap3A_293 = tpu.vector_load %arg11[%swap3A_292] {strides = array<i32>} : memref<512xi32, #tpu.memory_space<vmem>>, vector<16xi32>,
    tpu.vector_store %arg11[%swap3A_292], %shift_right_logical3A_291 {strides = array<i32>} : memref<512xi32, #tpu.memory_space<vmem>>, vector<16xi32>,
    %get3A_294 = arith.constant 336 : index
    %get3A_295 = tpu.vector_load %arg8[%get3A_294] {strides = array<i32>} : memref<512xi32, #tpu.memory_space<vmem>>, vector<16xi32>,
    %shift_right_logical3A_296 = arith.constant 4 : i32
    %shift_right_logical3A_297 = vector.broadcast %shift_right_logical3A_296 : i32 to vector<16xi32>
    %shift_right_logical3A_298 = arith.shrui %get3A_295, %shift_right_logical3A_297 : vector<16xi32>
    %swap3A_299 = arith.constant 336 : index
    %swap3A_300 = tpu.vector_load %arg10[%swap3A_299] {strides = array<i32>} : memref<512xi32, #tpu.memory_space<vmem>>, vector<16xi32>,
    tpu.vector_store %arg10[%swap3A_299], %shift_right_logical3A_298 {strides = array<i32>} : memref<512xi32, #tpu.memory_space<vmem>>, vector<16xi32>,
    %get3A_301 = arith.constant 336 : index
    %get3A_302 = tpu.vector_load %arg9[%get3A_301] {strides = array<i32>} : memref<512xi32, #tpu.memory_space<vmem>>, vector<16xi32>,
    %shift_right_logical3A_303 = arith.constant 4 : i32
    %shift_right_logical3A_304 = vector.broadcast %shift_right_logical3A_303 : i32 to vector<16xi32>
    %shift_right_logical3A_305 = arith.shrui %get3A_302, %shift_right_logical3A_304 : vector<16xi32>
    %swap3A_306 = arith.constant 336 : index
    %swap3A_307 = tpu.vector_load %arg11[%swap3A_306] {strides = array<i32>} : memref<512xi32, #tpu.memory_space<vmem>>, vector<16xi32>,
    tpu.vector_store %arg11[%swap3A_306], %shift_right_logical3A_305 {strides = array<i32>} : memref<512xi32, #tpu.memory_space<vmem>>, vector<16xi32>,
    %get3A_308 = arith.constant 352 : index
    %get3A_309 = tpu.vector_load %arg8[%get3A_308] {strides = array<i32>} : memref<512xi32, #tpu.memory_space<vmem>>, vector<16xi32>,
    %shift_right_logical3A_310 = arith.constant 4 : i32
    %shift_right_logical3A_311 = vector.broadcast %shift_right_logical3A_310 : i32 to vector<16xi32>
    %shift_right_logical3A_312 = arith.shrui %get3A_309, %shift_right_logical3A_311 : vector<16xi32>
    %swap3A_313 = arith.constant 352 : index
    %swap3A_314 = tpu.vector_load %arg10[%swap3A_313] {strides = array<i32>} : memref<512xi32, #tpu.memory_space<vmem>>, vector<16xi32>,
    tpu.vector_store %arg10[%swap3A_313], %shift_right_logical3A_312 {strides = array<i32>} : memref<512xi32, #tpu.memory_space<vmem>>, vector<16xi32>,
    %get3A_315 = arith.constant 352 : index
    %get3A_316 = tpu.vector_load %arg9[%get3A_315] {strides = array<i32>} : memref<512xi32, #tpu.memory_space<vmem>>, vector<16xi32>,
    %shift_right_logical3A_317 = arith.constant 4 : i32
    %shift_right_logical3A_318 = vector.broadcast %shift_right_logical3A_317 : i32 to vector<16xi32>
    %shift_right_logical3A_319 = arith.shrui %get3A_316, %shift_right_logical3A_318 : vector<16xi32>
    %swap3A_320 = arith.constant 352 : index
    %swap3A_321 = tpu.vector_load %arg11[%swap3A_320] {strides = array<i32>} : memref<512xi32, #tpu.memory_space<vmem>>, vector<16xi32>,
    tpu.vector_store %arg11[%swap3A_320], %shift_right_logical3A_319 {strides = array<i32>} : memref<512xi32, #tpu.memory_space<vmem>>, vector<16xi32>,
    %get3A_322 = arith.constant 368 : index
    %get3A_323 = tpu.vector_load %arg8[%get3A_322] {strides = array<i32>} : memref<512xi32, #tpu.memory_space<vmem>>, vector<16xi32>,
    %shift_right_logical3A_324 = arith.constant 4 : i32
    %shift_right_logical3A_325 = vector.broadcast %shift_right_logical3A_324 : i32 to vector<16xi32>
    %shift_right_logical3A_326 = arith.shrui %get3A_323, %shift_right_logical3A_325 : vector<16xi32>
    %swap3A_327 = arith.constant 368 : index
    %swap3A_328 = tpu.vector_load %arg10[%swap3A_327] {strides = array<i32>} : memref<512xi32, #tpu.memory_space<vmem>>, vector<16xi32>,
    tpu.vector_store %arg10[%swap3A_327], %shift_right_logical3A_326 {strides = array<i32>} : memref<512xi32, #tpu.memory_space<vmem>>, vector<16xi32>,
    %get3A_329 = arith.constant 368 : index
    %get3A_330 = tpu.vector_load %arg9[%get3A_329] {strides = array<i32>} : memref<512xi32, #tpu.memory_space<vmem>>, vector<16xi32>,
    %shift_right_logical3A_331 = arith.constant 4 : i32
    %shift_right_logical3A_332 = vector.broadcast %shift_right_logical3A_331 : i32 to vector<16xi32>
    %shift_right_logical3A_333 = arith.shrui %get3A_330, %shift_right_logical3A_332 : vector<16xi32>
    %swap3A_334 = arith.constant 368 : index
    %swap3A_335 = tpu.vector_load %arg11[%swap3A_334] {strides = array<i32>} : memref<512xi32, #tpu.memory_space<vmem>>, vector<16xi32>,
    tpu.vector_store %arg11[%swap3A_334], %shift_right_logical3A_333 {strides = array<i32>} : memref<512xi32, #tpu.memory_space<vmem>>, vector<16xi32>,
    %get3A_336 = arith.constant 384 : index
    %get3A_337 = tpu.vector_load %arg8[%get3A_336] {strides = array<i32>} : memref<512xi32, #tpu.memory_space<vmem>>, vector<16xi32>,
    %shift_right_logical3A_338 = arith.constant 4 : i32
    %shift_right_logical3A_339 = vector.broadcast %shift_right_logical3A_338 : i32 to vector<16xi32>
    %shift_right_logical3A_340 = arith.shrui %get3A_337, %shift_right_logical3A_339 : vector<16xi32>
    %swap3A_341 = arith.constant 384 : index
    %swap3A_342 = tpu.vector_load %arg10[%swap3A_341] {strides = array<i32>} : memref<512xi32, #tpu.memory_space<vmem>>, vector<16xi32>,
    tpu.vector_store %arg10[%swap3A_341], %shift_right_logical3A_340 {strides = array<i32>} : memref<512xi32, #tpu.memory_space<vmem>>, vector<16xi32>,
    %get3A_343 = arith.constant 384 : index
    %get3A_344 = tpu.vector_load %arg9[%get3A_343] {strides = array<i32>} : memref<512xi32, #tpu.memory_space<vmem>>, vector<16xi32>,
    %shift_right_logical3A_345 = arith.constant 4 : i32
    %shift_right_logical3A_346 = vector.broadcast %shift_right_logical3A_345 : i32 to vector<16xi32>
    %shift_right_logical3A_347 = arith.shrui %get3A_344, %shift_right_logical3A_346 : vector<16xi32>
    %swap3A_348 = arith.constant 384 : index
    %swap3A_349 = tpu.vector_load %arg11[%swap3A_348] {strides = array<i32>} : memref<512xi32, #tpu.memory_space<vmem>>, vector<16xi32>,
    tpu.vector_store %arg11[%swap3A_348], %shift_right_logical3A_347 {strides = array<i32>} : memref<512xi32, #tpu.memory_space<vmem>>, vector<16xi32>,
    %get3A_350 = arith.constant 400 : index
    %get3A_351 = tpu.vector_load %arg8[%get3A_350] {strides = array<i32>} : memref<512xi32, #tpu.memory_space<vmem>>, vector<16xi32>,
    %shift_right_logical3A_352 = arith.constant 4 : i32
    %shift_right_logical3A_353 = vector.broadcast %shift_right_logical3A_352 : i32 to vector<16xi32>
    %shift_right_logical3A_354 = arith.shrui %get3A_351, %shift_right_logical3A_353 : vector<16xi32>
    %swap3A_355 = arith.constant 400 : index
    %swap3A_356 = tpu.vector_load %arg10[%swap3A_355] {strides = array<i32>} : memref<512xi32, #tpu.memory_space<vmem>>, vector<16xi32>,
    tpu.vector_store %arg10[%swap3A_355], %shift_right_logical3A_354 {strides = array<i32>} : memref<512xi32, #tpu.memory_space<vmem>>, vector<16xi32>,
    %get3A_357 = arith.constant 400 : index
    %get3A_358 = tpu.vector_load %arg9[%get3A_357] {strides = array<i32>} : memref<512xi32, #tpu.memory_space<vmem>>, vector<16xi32>,
    %shift_right_logical3A_359 = arith.constant 4 : i32
    %shift_right_logical3A_360 = vector.broadcast %shift_right_logical3A_359 : i32 to vector<16xi32>
    %shift_right_logical3A_361 = arith.shrui %get3A_358, %shift_right_logical3A_360 : vector<16xi32>
    %swap3A_362 = arith.constant 400 : index
    %swap3A_363 = tpu.vector_load %arg11[%swap3A_362] {strides = array<i32>} : memref<512xi32, #tpu.memory_space<vmem>>, vector<16xi32>,
    tpu.vector_store %arg11[%swap3A_362], %shift_right_logical3A_361 {strides = array<i32>} : memref<512xi32, #tpu.memory_space<vmem>>, vector<16xi32>,
    %get3A_364 = arith.constant 416 : index
    %get3A_365 = tpu.vector_load %arg8[%get3A_364] {strides = array<i32>} : memref<512xi32, #tpu.memory_space<vmem>>, vector<16xi32>,
    %shift_right_logical3A_366 = arith.constant 4 : i32
    %shift_right_logical3A_367 = vector.broadcast %shift_right_logical3A_366 : i32 to vector<16xi32>
    %shift_right_logical3A_368 = arith.shrui %get3A_365, %shift_right_logical3A_367 : vector<16xi32>
    %swap3A_369 = arith.constant 416 : index
    %swap3A_370 = tpu.vector_load %arg10[%swap3A_369] {strides = array<i32>} : memref<512xi32, #tpu.memory_space<vmem>>, vector<16xi32>,
    tpu.vector_store %arg10[%swap3A_369], %shift_right_logical3A_368 {strides = array<i32>} : memref<512xi32, #tpu.memory_space<vmem>>, vector<16xi32>,
    %get3A_371 = arith.constant 416 : index
    %get3A_372 = tpu.vector_load %arg9[%get3A_371] {strides = array<i32>} : memref<512xi32, #tpu.memory_space<vmem>>, vector<16xi32>,
    %shift_right_logical3A_373 = arith.constant 4 : i32
    %shift_right_logical3A_374 = vector.broadcast %shift_right_logical3A_373 : i32 to vector<16xi32>
    %shift_right_logical3A_375 = arith.shrui %get3A_372, %shift_right_logical3A_374 : vector<16xi32>
    %swap3A_376 = arith.constant 416 : index
    %swap3A_377 = tpu.vector_load %arg11[%swap3A_376] {strides = array<i32>} : memref<512xi32, #tpu.memory_space<vmem>>, vector<16xi32>,
    tpu.vector_store %arg11[%swap3A_376], %shift_right_logical3A_375 {strides = array<i32>} : memref<512xi32, #tpu.memory_space<vmem>>, vector<16xi32>,
    %get3A_378 = arith.constant 432 : index
    %get3A_379 = tpu.vector_load %arg8[%get3A_378] {strides = array<i32>} : memref<512xi32, #tpu.memory_space<vmem>>, vector<16xi32>,
    %shift_right_logical3A_380 = arith.constant 4 : i32
    %shift_right_logical3A_381 = vector.broadcast %shift_right_logical3A_380 : i32 to vector<16xi32>
    %shift_right_logical3A_382 = arith.shrui %get3A_379, %shift_right_logical3A_381 : vector<16xi32>
    %swap3A_383 = arith.constant 432 : index
    %swap3A_384 = tpu.vector_load %arg10[%swap3A_383] {strides = array<i32>} : memref<512xi32, #tpu.memory_space<vmem>>, vector<16xi32>,
    tpu.vector_store %arg10[%swap3A_383], %shift_right_logical3A_382 {strides = array<i32>} : memref<512xi32, #tpu.memory_space<vmem>>, vector<16xi32>,
    %get3A_385 = arith.constant 432 : index
    %get3A_386 = tpu.vector_load %arg9[%get3A_385] {strides = array<i32>} : memref<512xi32, #tpu.memory_space<vmem>>, vector<16xi32>,
    %shift_right_logical3A_387 = arith.constant 4 : i32
    %shift_right_logical3A_388 = vector.broadcast %shift_right_logical3A_387 : i32 to vector<16xi32>
    %shift_right_logical3A_389 = arith.shrui %get3A_386, %shift_right_logical3A_388 : vector<16xi32>
    %swap3A_390 = arith.constant 432 : index
    %swap3A_391 = tpu.vector_load %arg11[%swap3A_390] {strides = array<i32>} : memref<512xi32, #tpu.memory_space<vmem>>, vector<16xi32>,
    tpu.vector_store %arg11[%swap3A_390], %shift_right_logical3A_389 {strides = array<i32>} : memref<512xi32, #tpu.memory_space<vmem>>, vector<16xi32>,
    %get3A_392 = arith.constant 448 : index
    %get3A_393 = tpu.vector_load %arg8[%get3A_392] {strides = array<i32>} : memref<512xi32, #tpu.memory_space<vmem>>, vector<16xi32>,
    %shift_right_logical3A_394 = arith.constant 4 : i32
    %shift_right_logical3A_395 = vector.broadcast %shift_right_logical3A_394 : i32 to vector<16xi32>
    %shift_right_logical3A_396 = arith.shrui %get3A_393, %shift_right_logical3A_395 : vector<16xi32>
    %swap3A_397 = arith.constant 448 : index
    %swap3A_398 = tpu.vector_load %arg10[%swap3A_397] {strides = array<i32>} : memref<512xi32, #tpu.memory_space<vmem>>, vector<16xi32>,
    tpu.vector_store %arg10[%swap3A_397], %shift_right_logical3A_396 {strides = array<i32>} : memref<512xi32, #tpu.memory_space<vmem>>, vector<16xi32>,
    %get3A_399 = arith.constant 448 : index
    %get3A_400 = tpu.vector_load %arg9[%get3A_399] {strides = array<i32>} : memref<512xi32, #tpu.memory_space<vmem>>, vector<16xi32>,
    %shift_right_logical3A_401 = arith.constant 4 : i32
    %shift_right_logical3A_402 = vector.broadcast %shift_right_logical3A_401 : i32 to vector<16xi32>
    %shift_right_logical3A_403 = arith.shrui %get3A_400, %shift_right_logical3A_402 : vector<16xi32>
    %swap3A_404 = arith.constant 448 : index
    %swap3A_405 = tpu.vector_load %arg11[%swap3A_404] {strides = array<i32>} : memref<512xi32, #tpu.memory_space<vmem>>, vector<16xi32>,
    tpu.vector_store %arg11[%swap3A_404], %shift_right_logical3A_403 {strides = array<i32>} : memref<512xi32, #tpu.memory_space<vmem>>, vector<16xi32>,
    %get3A_406 = arith.constant 464 : index
    %get3A_407 = tpu.vector_load %arg8[%get3A_406] {strides = array<i32>} : memref<512xi32, #tpu.memory_space<vmem>>, vector<16xi32>,
    %shift_right_logical3A_408 = arith.constant 4 : i32
    %shift_right_logical3A_409 = vector.broadcast %shift_right_logical3A_408 : i32 to vector<16xi32>
    %shift_right_logical3A_410 = arith.shrui %get3A_407, %shift_right_logical3A_409 : vector<16xi32>
    %swap3A_411 = arith.constant 464 : index
    %swap3A_412 = tpu.vector_load %arg10[%swap3A_411] {strides = array<i32>} : memref<512xi32, #tpu.memory_space<vmem>>, vector<16xi32>,
    tpu.vector_store %arg10[%swap3A_411], %shift_right_logical3A_410 {strides = array<i32>} : memref<512xi32, #tpu.memory_space<vmem>>, vector<16xi32>,
    %get3A_413 = arith.constant 464 : index
    %get3A_414 = tpu.vector_load %arg9[%get3A_413] {strides = array<i32>} : memref<512xi32, #tpu.memory_space<vmem>>, vector<16xi32>,
    %shift_right_logical3A_415 = arith.constant 4 : i32
    %shift_right_logical3A_416 = vector.broadcast %shift_right_logical3A_415 : i32 to vector<16xi32>
    %shift_right_logical3A_417 = arith.shrui %get3A_414, %shift_right_logical3A_416 : vector<16xi32>
    %swap3A_418 = arith.constant 464 : index
    %swap3A_419 = tpu.vector_load %arg11[%swap3A_418] {strides = array<i32>} : memref<512xi32, #tpu.memory_space<vmem>>, vector<16xi32>,
    tpu.vector_store %arg11[%swap3A_418], %shift_right_logical3A_417 {strides = array<i32>} : memref<512xi32, #tpu.memory_space<vmem>>, vector<16xi32>,
    %get3A_420 = arith.constant 480 : index
    %get3A_421 = tpu.vector_load %arg8[%get3A_420] {strides = array<i32>} : memref<512xi32, #tpu.memory_space<vmem>>, vector<16xi32>,
    %shift_right_logical3A_422 = arith.constant 4 : i32
    %shift_right_logical3A_423 = vector.broadcast %shift_right_logical3A_422 : i32 to vector<16xi32>
    %shift_right_logical3A_424 = arith.shrui %get3A_421, %shift_right_logical3A_423 : vector<16xi32>
    %swap3A_425 = arith.constant 480 : index
    %swap3A_426 = tpu.vector_load %arg10[%swap3A_425] {strides = array<i32>} : memref<512xi32, #tpu.memory_space<vmem>>, vector<16xi32>,
    tpu.vector_store %arg10[%swap3A_425], %shift_right_logical3A_424 {strides = array<i32>} : memref<512xi32, #tpu.memory_space<vmem>>, vector<16xi32>,
    %get3A_427 = arith.constant 480 : index
    %get3A_428 = tpu.vector_load %arg9[%get3A_427] {strides = array<i32>} : memref<512xi32, #tpu.memory_space<vmem>>, vector<16xi32>,
    %shift_right_logical3A_429 = arith.constant 4 : i32
    %shift_right_logical3A_430 = vector.broadcast %shift_right_logical3A_429 : i32 to vector<16xi32>
    %shift_right_logical3A_431 = arith.shrui %get3A_428, %shift_right_logical3A_430 : vector<16xi32>
    %swap3A_432 = arith.constant 480 : index
    %swap3A_433 = tpu.vector_load %arg11[%swap3A_432] {strides = array<i32>} : memref<512xi32, #tpu.memory_space<vmem>>, vector<16xi32>,
    tpu.vector_store %arg11[%swap3A_432], %shift_right_logical3A_431 {strides = array<i32>} : memref<512xi32, #tpu.memory_space<vmem>>, vector<16xi32>,
    %get3A_434 = arith.constant 496 : index
    %get3A_435 = tpu.vector_load %arg8[%get3A_434] {strides = array<i32>} : memref<512xi32, #tpu.memory_space<vmem>>, vector<16xi32>,
    %shift_right_logical3A_436 = arith.constant 4 : i32
    %shift_right_logical3A_437 = vector.broadcast %shift_right_logical3A_436 : i32 to vector<16xi32>
    %shift_right_logical3A_438 = arith.shrui %get3A_435, %shift_right_logical3A_437 : vector<16xi32>
    %swap3A_439 = arith.constant 496 : index
    %swap3A_440 = tpu.vector_load %arg10[%swap3A_439] {strides = array<i32>} : memref<512xi32, #tpu.memory_space<vmem>>, vector<16xi32>,
    tpu.vector_store %arg10[%swap3A_439], %shift_right_logical3A_438 {strides = array<i32>} : memref<512xi32, #tpu.memory_space<vmem>>, vector<16xi32>,
    %get3A_441 = arith.constant 496 : index
    %get3A_442 = tpu.vector_load %arg9[%get3A_441] {strides = array<i32>} : memref<512xi32, #tpu.memory_space<vmem>>, vector<16xi32>,
    %shift_right_logical3A_443 = arith.constant 4 : i32
    %shift_right_logical3A_444 = vector.broadcast %shift_right_logical3A_443 : i32 to vector<16xi32>
    %shift_right_logical3A_445 = arith.shrui %get3A_442, %shift_right_logical3A_444 : vector<16xi32>
    %swap3A_446 = arith.constant 496 : index
    %swap3A_447 = tpu.vector_load %arg11[%swap3A_446] {strides = array<i32>} : memref<512xi32, #tpu.memory_space<vmem>>, vector<16xi32>,
    tpu.vector_store %arg11[%swap3A_446], %shift_right_logical3A_445 {strides = array<i32>} : memref<512xi32, #tpu.memory_space<vmem>>, vector<16xi32>,
    %dma_start3A = arith.constant 0 : i32
    %dma_start3A_448 = arith.constant 0 : i32
    %dma_start3A_449 = tpu.memref_slice %arg2[%dma_start3A, %dma_start3A_448] : memref<63488x16xf32, #tpu.memory_space<hbm>> -> memref<63488x16xf32, #tpu.memory_space<hbm>>
    tpu.enqueue_indirect_dma source(%dma_start3A_449 : memref<63488x16xf32, #tpu.memory_space<hbm>>) target(%arg12 : memref<512x16xf32, #tpu.memory_space<vmem>>) offsets(%arg11 : memref<512xi32, #tpu.memory_space<vmem>>) semaphore(%arg16 : memref<!tpu.dma_semaphore, #tpu.memory_space<semaphore_mem>>)
    %dma_start3A_450 = arith.constant 0 : i32
    %dma_start3A_451 = arith.constant 0 : i32
    %dma_start3A_452 = tpu.memref_slice %arg3[%dma_start3A_450, %dma_start3A_451] : memref<63488x16xf32, #tpu.memory_space<hbm>> -> memref<63488x16xf32, #tpu.memory_space<hbm>>
    tpu.enqueue_indirect_dma source(%dma_start3A_452 : memref<63488x16xf32, #tpu.memory_space<hbm>>) target(%arg13 : memref<512x16xf32, #tpu.memory_space<vmem>>) offsets(%arg10 : memref<512xi32, #tpu.memory_space<vmem>>) semaphore(%arg17 : memref<!tpu.dma_semaphore, #tpu.memory_space<semaphore_mem>>)
    "tpu.region"() ({
      %run_scoped3A = tpu.sem_alloc : memref<!tpu.dma_semaphore, #tpu.memory_space<semaphore_mem>>
      %dma_start3A_1128 = tpu.memref_slice %arg4[%mul3A_2] : memref<16384xf32, #tpu.memory_space<hbm>> -> memref<512xf32, #tpu.memory_space<hbm>>
      %dma_start3A_1129 = tpu.memref_slice %arg4[%mul3A_2] : memref<16384xf32, #tpu.memory_space<hbm>> -> memref<512xf32, #tpu.memory_space<hbm>>
      tpu.enqueue_dma source(%dma_start3A_1129 : memref<512xf32, #tpu.memory_space<hbm>>) target(%arg14 : memref<512xf32, #tpu.memory_space<vmem>>) target_semaphore(%run_scoped3A : memref<!tpu.dma_semaphore, #tpu.memory_space<semaphore_mem>>)
      %dma_wait3A_1130 = tpu.memref_slice %arg4[%mul3A_2] : memref<16384xf32, #tpu.memory_space<hbm>> -> memref<512xf32, #tpu.memory_space<hbm>>
      %dma_wait3A_1131 = tpu.memref_slice %arg4[%mul3A_2] : memref<16384xf32, #tpu.memory_space<hbm>> -> memref<512xf32, #tpu.memory_space<hbm>>
      tpu.wait_dma2 semaphore(%run_scoped3A : memref<!tpu.dma_semaphore, #tpu.memory_space<semaphore_mem>>) src(%dma_wait3A_1131 : memref<512xf32, #tpu.memory_space<hbm>>) dst(%arg14 : memref<512xf32, #tpu.memory_space<vmem>>)
      tpu.yield
    }) : () -> ()
    %dma_wait3A = arith.constant 0 : i32
    %dma_wait3A_453 = arith.constant 0 : i32
    %dma_wait3A_454 = tpu.memref_slice %arg2[%dma_wait3A, %dma_wait3A_453] : memref<63488x16xf32, #tpu.memory_space<hbm>> -> memref<63488x16xf32, #tpu.memory_space<hbm>>
    tpu.wait_indirect_dma semaphore(%arg16 : memref<!tpu.dma_semaphore, #tpu.memory_space<semaphore_mem>>) src(%dma_wait3A_454 : memref<63488x16xf32, #tpu.memory_space<hbm>>) dst(%arg12 : memref<512x16xf32, #tpu.memory_space<vmem>>)
    %dma_wait3A_455 = arith.constant 0 : i32
    %dma_wait3A_456 = arith.constant 0 : i32
    %dma_wait3A_457 = tpu.memref_slice %arg3[%dma_wait3A_455, %dma_wait3A_456] : memref<63488x16xf32, #tpu.memory_space<hbm>> -> memref<63488x16xf32, #tpu.memory_space<hbm>>
    tpu.wait_indirect_dma semaphore(%arg17 : memref<!tpu.dma_semaphore, #tpu.memory_space<semaphore_mem>>) src(%dma_wait3A_457 : memref<63488x16xf32, #tpu.memory_space<hbm>>) dst(%arg13 : memref<512x16xf32, #tpu.memory_space<vmem>>)
    %iota3A = tpu.iota {dimensions = array<i32: 0>} : vector<16xi32>
    %add3A_458 = arith.constant 0 : i32
    %add3A_459 = vector.broadcast %add3A_458 : i32 to vector<16xi32>
    %add3A_460 = arith.addi %iota3A, %add3A_459 : vector<16xi32>
    %get3A_461 = arith.constant 0 : index
    %get3A_462 = tpu.vector_load %arg9[%get3A_461] {strides = array<i32>} : memref<512xi32, #tpu.memory_space<vmem>>, vector<16xi32>,
    %and3A = arith.constant 15 : i32
    %and3A_463 = vector.broadcast %and3A : i32 to vector<16xi32>
    %and3A_464 = arith.andi %get3A_462, %and3A_463 : vector<16xi32>
    %gather3A = tpu.vector_load_idx %arg12[%add3A_460, %and3A_464] : memref<512x16xf32, #tpu.memory_space<vmem>>[vector<16xi32>, vector<16xi32>], vector<16xf32>,
    %get3A_465 = arith.constant 0 : index
    %get3A_466 = tpu.vector_load %arg8[%get3A_465] {strides = array<i32>} : memref<512xi32, #tpu.memory_space<vmem>>, vector<16xi32>,
    %and3A_467 = arith.constant 15 : i32
    %and3A_468 = vector.broadcast %and3A_467 : i32 to vector<16xi32>
    %and3A_469 = arith.andi %get3A_466, %and3A_468 : vector<16xi32>
    %gather3A_470 = tpu.vector_load_idx %arg13[%add3A_460, %and3A_469] : memref<512x16xf32, #tpu.memory_space<vmem>>[vector<16xi32>, vector<16xi32>], vector<16xf32>,
    %add3A_471 = arith.addf %gather3A, %gather3A_470 : vector<16xf32>
    %get3A_472 = arith.constant 0 : index
    %get3A_473 = tpu.vector_load %arg14[%get3A_472] {strides = array<i32>} : memref<512xf32, #tpu.memory_space<vmem>>, vector<16xf32>,
    %add3A_474 = arith.addf %add3A_471, %get3A_473 : vector<16xf32>
    %swap3A_475 = arith.constant 0 : index
    %swap3A_476 = tpu.vector_load %arg15[%swap3A_475] {strides = array<i32>} : memref<512xf32, #tpu.memory_space<vmem>>, vector<16xf32>,
    tpu.vector_store %arg15[%swap3A_475], %add3A_474 {strides = array<i32>} : memref<512xf32, #tpu.memory_space<vmem>>, vector<16xf32>,
    %add3A_477 = arith.constant 16 : i32
    %add3A_478 = vector.broadcast %add3A_477 : i32 to vector<16xi32>
    %add3A_479 = arith.addi %iota3A, %add3A_478 : vector<16xi32>
    %get3A_480 = arith.constant 16 : index
    %get3A_481 = tpu.vector_load %arg9[%get3A_480] {strides = array<i32>} : memref<512xi32, #tpu.memory_space<vmem>>, vector<16xi32>,
    %and3A_482 = arith.constant 15 : i32
    %and3A_483 = vector.broadcast %and3A_482 : i32 to vector<16xi32>
    %and3A_484 = arith.andi %get3A_481, %and3A_483 : vector<16xi32>
    %gather3A_485 = tpu.vector_load_idx %arg12[%add3A_479, %and3A_484] : memref<512x16xf32, #tpu.memory_space<vmem>>[vector<16xi32>, vector<16xi32>], vector<16xf32>,
    %get3A_486 = arith.constant 16 : index
    %get3A_487 = tpu.vector_load %arg8[%get3A_486] {strides = array<i32>} : memref<512xi32, #tpu.memory_space<vmem>>, vector<16xi32>,
    %and3A_488 = arith.constant 15 : i32
    %and3A_489 = vector.broadcast %and3A_488 : i32 to vector<16xi32>
    %and3A_490 = arith.andi %get3A_487, %and3A_489 : vector<16xi32>
    %gather3A_491 = tpu.vector_load_idx %arg13[%add3A_479, %and3A_490] : memref<512x16xf32, #tpu.memory_space<vmem>>[vector<16xi32>, vector<16xi32>], vector<16xf32>,
    %add3A_492 = arith.addf %gather3A_485, %gather3A_491 : vector<16xf32>
    %get3A_493 = arith.constant 16 : index
    %get3A_494 = tpu.vector_load %arg14[%get3A_493] {strides = array<i32>} : memref<512xf32, #tpu.memory_space<vmem>>, vector<16xf32>,
    %add3A_495 = arith.addf %add3A_492, %get3A_494 : vector<16xf32>
    %swap3A_496 = arith.constant 16 : index
    %swap3A_497 = tpu.vector_load %arg15[%swap3A_496] {strides = array<i32>} : memref<512xf32, #tpu.memory_space<vmem>>, vector<16xf32>,
    tpu.vector_store %arg15[%swap3A_496], %add3A_495 {strides = array<i32>} : memref<512xf32, #tpu.memory_space<vmem>>, vector<16xf32>,
    %add3A_498 = arith.constant 32 : i32
    %add3A_499 = vector.broadcast %add3A_498 : i32 to vector<16xi32>
    %add3A_500 = arith.addi %iota3A, %add3A_499 : vector<16xi32>
    %get3A_501 = arith.constant 32 : index
    %get3A_502 = tpu.vector_load %arg9[%get3A_501] {strides = array<i32>} : memref<512xi32, #tpu.memory_space<vmem>>, vector<16xi32>,
    %and3A_503 = arith.constant 15 : i32
    %and3A_504 = vector.broadcast %and3A_503 : i32 to vector<16xi32>
    %and3A_505 = arith.andi %get3A_502, %and3A_504 : vector<16xi32>
    %gather3A_506 = tpu.vector_load_idx %arg12[%add3A_500, %and3A_505] : memref<512x16xf32, #tpu.memory_space<vmem>>[vector<16xi32>, vector<16xi32>], vector<16xf32>,
    %get3A_507 = arith.constant 32 : index
    %get3A_508 = tpu.vector_load %arg8[%get3A_507] {strides = array<i32>} : memref<512xi32, #tpu.memory_space<vmem>>, vector<16xi32>,
    %and3A_509 = arith.constant 15 : i32
    %and3A_510 = vector.broadcast %and3A_509 : i32 to vector<16xi32>
    %and3A_511 = arith.andi %get3A_508, %and3A_510 : vector<16xi32>
    %gather3A_512 = tpu.vector_load_idx %arg13[%add3A_500, %and3A_511] : memref<512x16xf32, #tpu.memory_space<vmem>>[vector<16xi32>, vector<16xi32>], vector<16xf32>,
    %add3A_513 = arith.addf %gather3A_506, %gather3A_512 : vector<16xf32>
    %get3A_514 = arith.constant 32 : index
    %get3A_515 = tpu.vector_load %arg14[%get3A_514] {strides = array<i32>} : memref<512xf32, #tpu.memory_space<vmem>>, vector<16xf32>,
    %add3A_516 = arith.addf %add3A_513, %get3A_515 : vector<16xf32>
    %swap3A_517 = arith.constant 32 : index
    %swap3A_518 = tpu.vector_load %arg15[%swap3A_517] {strides = array<i32>} : memref<512xf32, #tpu.memory_space<vmem>>, vector<16xf32>,
    tpu.vector_store %arg15[%swap3A_517], %add3A_516 {strides = array<i32>} : memref<512xf32, #tpu.memory_space<vmem>>, vector<16xf32>,
    %add3A_519 = arith.constant 48 : i32
    %add3A_520 = vector.broadcast %add3A_519 : i32 to vector<16xi32>
    %add3A_521 = arith.addi %iota3A, %add3A_520 : vector<16xi32>
    %get3A_522 = arith.constant 48 : index
    %get3A_523 = tpu.vector_load %arg9[%get3A_522] {strides = array<i32>} : memref<512xi32, #tpu.memory_space<vmem>>, vector<16xi32>,
    %and3A_524 = arith.constant 15 : i32
    %and3A_525 = vector.broadcast %and3A_524 : i32 to vector<16xi32>
    %and3A_526 = arith.andi %get3A_523, %and3A_525 : vector<16xi32>
    %gather3A_527 = tpu.vector_load_idx %arg12[%add3A_521, %and3A_526] : memref<512x16xf32, #tpu.memory_space<vmem>>[vector<16xi32>, vector<16xi32>], vector<16xf32>,
    %get3A_528 = arith.constant 48 : index
    %get3A_529 = tpu.vector_load %arg8[%get3A_528] {strides = array<i32>} : memref<512xi32, #tpu.memory_space<vmem>>, vector<16xi32>,
    %and3A_530 = arith.constant 15 : i32
    %and3A_531 = vector.broadcast %and3A_530 : i32 to vector<16xi32>
    %and3A_532 = arith.andi %get3A_529, %and3A_531 : vector<16xi32>
    %gather3A_533 = tpu.vector_load_idx %arg13[%add3A_521, %and3A_532] : memref<512x16xf32, #tpu.memory_space<vmem>>[vector<16xi32>, vector<16xi32>], vector<16xf32>,
    %add3A_534 = arith.addf %gather3A_527, %gather3A_533 : vector<16xf32>
    %get3A_535 = arith.constant 48 : index
    %get3A_536 = tpu.vector_load %arg14[%get3A_535] {strides = array<i32>} : memref<512xf32, #tpu.memory_space<vmem>>, vector<16xf32>,
    %add3A_537 = arith.addf %add3A_534, %get3A_536 : vector<16xf32>
    %swap3A_538 = arith.constant 48 : index
    %swap3A_539 = tpu.vector_load %arg15[%swap3A_538] {strides = array<i32>} : memref<512xf32, #tpu.memory_space<vmem>>, vector<16xf32>,
    tpu.vector_store %arg15[%swap3A_538], %add3A_537 {strides = array<i32>} : memref<512xf32, #tpu.memory_space<vmem>>, vector<16xf32>,
    %add3A_540 = arith.constant 64 : i32
    %add3A_541 = vector.broadcast %add3A_540 : i32 to vector<16xi32>
    %add3A_542 = arith.addi %iota3A, %add3A_541 : vector<16xi32>
    %get3A_543 = arith.constant 64 : index
    %get3A_544 = tpu.vector_load %arg9[%get3A_543] {strides = array<i32>} : memref<512xi32, #tpu.memory_space<vmem>>, vector<16xi32>,
    %and3A_545 = arith.constant 15 : i32
    %and3A_546 = vector.broadcast %and3A_545 : i32 to vector<16xi32>
    %and3A_547 = arith.andi %get3A_544, %and3A_546 : vector<16xi32>
    %gather3A_548 = tpu.vector_load_idx %arg12[%add3A_542, %and3A_547] : memref<512x16xf32, #tpu.memory_space<vmem>>[vector<16xi32>, vector<16xi32>], vector<16xf32>,
    %get3A_549 = arith.constant 64 : index
    %get3A_550 = tpu.vector_load %arg8[%get3A_549] {strides = array<i32>} : memref<512xi32, #tpu.memory_space<vmem>>, vector<16xi32>,
    %and3A_551 = arith.constant 15 : i32
    %and3A_552 = vector.broadcast %and3A_551 : i32 to vector<16xi32>
    %and3A_553 = arith.andi %get3A_550, %and3A_552 : vector<16xi32>
    %gather3A_554 = tpu.vector_load_idx %arg13[%add3A_542, %and3A_553] : memref<512x16xf32, #tpu.memory_space<vmem>>[vector<16xi32>, vector<16xi32>], vector<16xf32>,
    %add3A_555 = arith.addf %gather3A_548, %gather3A_554 : vector<16xf32>
    %get3A_556 = arith.constant 64 : index
    %get3A_557 = tpu.vector_load %arg14[%get3A_556] {strides = array<i32>} : memref<512xf32, #tpu.memory_space<vmem>>, vector<16xf32>,
    %add3A_558 = arith.addf %add3A_555, %get3A_557 : vector<16xf32>
    %swap3A_559 = arith.constant 64 : index
    %swap3A_560 = tpu.vector_load %arg15[%swap3A_559] {strides = array<i32>} : memref<512xf32, #tpu.memory_space<vmem>>, vector<16xf32>,
    tpu.vector_store %arg15[%swap3A_559], %add3A_558 {strides = array<i32>} : memref<512xf32, #tpu.memory_space<vmem>>, vector<16xf32>,
    %add3A_561 = arith.constant 80 : i32
    %add3A_562 = vector.broadcast %add3A_561 : i32 to vector<16xi32>
    %add3A_563 = arith.addi %iota3A, %add3A_562 : vector<16xi32>
    %get3A_564 = arith.constant 80 : index
    %get3A_565 = tpu.vector_load %arg9[%get3A_564] {strides = array<i32>} : memref<512xi32, #tpu.memory_space<vmem>>, vector<16xi32>,
    %and3A_566 = arith.constant 15 : i32
    %and3A_567 = vector.broadcast %and3A_566 : i32 to vector<16xi32>
    %and3A_568 = arith.andi %get3A_565, %and3A_567 : vector<16xi32>
    %gather3A_569 = tpu.vector_load_idx %arg12[%add3A_563, %and3A_568] : memref<512x16xf32, #tpu.memory_space<vmem>>[vector<16xi32>, vector<16xi32>], vector<16xf32>,
    %get3A_570 = arith.constant 80 : index
    %get3A_571 = tpu.vector_load %arg8[%get3A_570] {strides = array<i32>} : memref<512xi32, #tpu.memory_space<vmem>>, vector<16xi32>,
    %and3A_572 = arith.constant 15 : i32
    %and3A_573 = vector.broadcast %and3A_572 : i32 to vector<16xi32>
    %and3A_574 = arith.andi %get3A_571, %and3A_573 : vector<16xi32>
    %gather3A_575 = tpu.vector_load_idx %arg13[%add3A_563, %and3A_574] : memref<512x16xf32, #tpu.memory_space<vmem>>[vector<16xi32>, vector<16xi32>], vector<16xf32>,
    %add3A_576 = arith.addf %gather3A_569, %gather3A_575 : vector<16xf32>
    %get3A_577 = arith.constant 80 : index
    %get3A_578 = tpu.vector_load %arg14[%get3A_577] {strides = array<i32>} : memref<512xf32, #tpu.memory_space<vmem>>, vector<16xf32>,
    %add3A_579 = arith.addf %add3A_576, %get3A_578 : vector<16xf32>
    %swap3A_580 = arith.constant 80 : index
    %swap3A_581 = tpu.vector_load %arg15[%swap3A_580] {strides = array<i32>} : memref<512xf32, #tpu.memory_space<vmem>>, vector<16xf32>,
    tpu.vector_store %arg15[%swap3A_580], %add3A_579 {strides = array<i32>} : memref<512xf32, #tpu.memory_space<vmem>>, vector<16xf32>,
    %add3A_582 = arith.constant 96 : i32
    %add3A_583 = vector.broadcast %add3A_582 : i32 to vector<16xi32>
    %add3A_584 = arith.addi %iota3A, %add3A_583 : vector<16xi32>
    %get3A_585 = arith.constant 96 : index
    %get3A_586 = tpu.vector_load %arg9[%get3A_585] {strides = array<i32>} : memref<512xi32, #tpu.memory_space<vmem>>, vector<16xi32>,
    %and3A_587 = arith.constant 15 : i32
    %and3A_588 = vector.broadcast %and3A_587 : i32 to vector<16xi32>
    %and3A_589 = arith.andi %get3A_586, %and3A_588 : vector<16xi32>
    %gather3A_590 = tpu.vector_load_idx %arg12[%add3A_584, %and3A_589] : memref<512x16xf32, #tpu.memory_space<vmem>>[vector<16xi32>, vector<16xi32>], vector<16xf32>,
    %get3A_591 = arith.constant 96 : index
    %get3A_592 = tpu.vector_load %arg8[%get3A_591] {strides = array<i32>} : memref<512xi32, #tpu.memory_space<vmem>>, vector<16xi32>,
    %and3A_593 = arith.constant 15 : i32
    %and3A_594 = vector.broadcast %and3A_593 : i32 to vector<16xi32>
    %and3A_595 = arith.andi %get3A_592, %and3A_594 : vector<16xi32>
    %gather3A_596 = tpu.vector_load_idx %arg13[%add3A_584, %and3A_595] : memref<512x16xf32, #tpu.memory_space<vmem>>[vector<16xi32>, vector<16xi32>], vector<16xf32>,
    %add3A_597 = arith.addf %gather3A_590, %gather3A_596 : vector<16xf32>
    %get3A_598 = arith.constant 96 : index
    %get3A_599 = tpu.vector_load %arg14[%get3A_598] {strides = array<i32>} : memref<512xf32, #tpu.memory_space<vmem>>, vector<16xf32>,
    %add3A_600 = arith.addf %add3A_597, %get3A_599 : vector<16xf32>
    %swap3A_601 = arith.constant 96 : index
    %swap3A_602 = tpu.vector_load %arg15[%swap3A_601] {strides = array<i32>} : memref<512xf32, #tpu.memory_space<vmem>>, vector<16xf32>,
    tpu.vector_store %arg15[%swap3A_601], %add3A_600 {strides = array<i32>} : memref<512xf32, #tpu.memory_space<vmem>>, vector<16xf32>,
    %add3A_603 = arith.constant 112 : i32
    %add3A_604 = vector.broadcast %add3A_603 : i32 to vector<16xi32>
    %add3A_605 = arith.addi %iota3A, %add3A_604 : vector<16xi32>
    %get3A_606 = arith.constant 112 : index
    %get3A_607 = tpu.vector_load %arg9[%get3A_606] {strides = array<i32>} : memref<512xi32, #tpu.memory_space<vmem>>, vector<16xi32>,
    %and3A_608 = arith.constant 15 : i32
    %and3A_609 = vector.broadcast %and3A_608 : i32 to vector<16xi32>
    %and3A_610 = arith.andi %get3A_607, %and3A_609 : vector<16xi32>
    %gather3A_611 = tpu.vector_load_idx %arg12[%add3A_605, %and3A_610] : memref<512x16xf32, #tpu.memory_space<vmem>>[vector<16xi32>, vector<16xi32>], vector<16xf32>,
    %get3A_612 = arith.constant 112 : index
    %get3A_613 = tpu.vector_load %arg8[%get3A_612] {strides = array<i32>} : memref<512xi32, #tpu.memory_space<vmem>>, vector<16xi32>,
    %and3A_614 = arith.constant 15 : i32
    %and3A_615 = vector.broadcast %and3A_614 : i32 to vector<16xi32>
    %and3A_616 = arith.andi %get3A_613, %and3A_615 : vector<16xi32>
    %gather3A_617 = tpu.vector_load_idx %arg13[%add3A_605, %and3A_616] : memref<512x16xf32, #tpu.memory_space<vmem>>[vector<16xi32>, vector<16xi32>], vector<16xf32>,
    %add3A_618 = arith.addf %gather3A_611, %gather3A_617 : vector<16xf32>
    %get3A_619 = arith.constant 112 : index
    %get3A_620 = tpu.vector_load %arg14[%get3A_619] {strides = array<i32>} : memref<512xf32, #tpu.memory_space<vmem>>, vector<16xf32>,
    %add3A_621 = arith.addf %add3A_618, %get3A_620 : vector<16xf32>
    %swap3A_622 = arith.constant 112 : index
    %swap3A_623 = tpu.vector_load %arg15[%swap3A_622] {strides = array<i32>} : memref<512xf32, #tpu.memory_space<vmem>>, vector<16xf32>,
    tpu.vector_store %arg15[%swap3A_622], %add3A_621 {strides = array<i32>} : memref<512xf32, #tpu.memory_space<vmem>>, vector<16xf32>,
    %add3A_624 = arith.constant 128 : i32
    %add3A_625 = vector.broadcast %add3A_624 : i32 to vector<16xi32>
    %add3A_626 = arith.addi %iota3A, %add3A_625 : vector<16xi32>
    %get3A_627 = arith.constant 128 : index
    %get3A_628 = tpu.vector_load %arg9[%get3A_627] {strides = array<i32>} : memref<512xi32, #tpu.memory_space<vmem>>, vector<16xi32>,
    %and3A_629 = arith.constant 15 : i32
    %and3A_630 = vector.broadcast %and3A_629 : i32 to vector<16xi32>
    %and3A_631 = arith.andi %get3A_628, %and3A_630 : vector<16xi32>
    %gather3A_632 = tpu.vector_load_idx %arg12[%add3A_626, %and3A_631] : memref<512x16xf32, #tpu.memory_space<vmem>>[vector<16xi32>, vector<16xi32>], vector<16xf32>,
    %get3A_633 = arith.constant 128 : index
    %get3A_634 = tpu.vector_load %arg8[%get3A_633] {strides = array<i32>} : memref<512xi32, #tpu.memory_space<vmem>>, vector<16xi32>,
    %and3A_635 = arith.constant 15 : i32
    %and3A_636 = vector.broadcast %and3A_635 : i32 to vector<16xi32>
    %and3A_637 = arith.andi %get3A_634, %and3A_636 : vector<16xi32>
    %gather3A_638 = tpu.vector_load_idx %arg13[%add3A_626, %and3A_637] : memref<512x16xf32, #tpu.memory_space<vmem>>[vector<16xi32>, vector<16xi32>], vector<16xf32>,
    %add3A_639 = arith.addf %gather3A_632, %gather3A_638 : vector<16xf32>
    %get3A_640 = arith.constant 128 : index
    %get3A_641 = tpu.vector_load %arg14[%get3A_640] {strides = array<i32>} : memref<512xf32, #tpu.memory_space<vmem>>, vector<16xf32>,
    %add3A_642 = arith.addf %add3A_639, %get3A_641 : vector<16xf32>
    %swap3A_643 = arith.constant 128 : index
    %swap3A_644 = tpu.vector_load %arg15[%swap3A_643] {strides = array<i32>} : memref<512xf32, #tpu.memory_space<vmem>>, vector<16xf32>,
    tpu.vector_store %arg15[%swap3A_643], %add3A_642 {strides = array<i32>} : memref<512xf32, #tpu.memory_space<vmem>>, vector<16xf32>,
    %add3A_645 = arith.constant 144 : i32
    %add3A_646 = vector.broadcast %add3A_645 : i32 to vector<16xi32>
    %add3A_647 = arith.addi %iota3A, %add3A_646 : vector<16xi32>
    %get3A_648 = arith.constant 144 : index
    %get3A_649 = tpu.vector_load %arg9[%get3A_648] {strides = array<i32>} : memref<512xi32, #tpu.memory_space<vmem>>, vector<16xi32>,
    %and3A_650 = arith.constant 15 : i32
    %and3A_651 = vector.broadcast %and3A_650 : i32 to vector<16xi32>
    %and3A_652 = arith.andi %get3A_649, %and3A_651 : vector<16xi32>
    %gather3A_653 = tpu.vector_load_idx %arg12[%add3A_647, %and3A_652] : memref<512x16xf32, #tpu.memory_space<vmem>>[vector<16xi32>, vector<16xi32>], vector<16xf32>,
    %get3A_654 = arith.constant 144 : index
    %get3A_655 = tpu.vector_load %arg8[%get3A_654] {strides = array<i32>} : memref<512xi32, #tpu.memory_space<vmem>>, vector<16xi32>,
    %and3A_656 = arith.constant 15 : i32
    %and3A_657 = vector.broadcast %and3A_656 : i32 to vector<16xi32>
    %and3A_658 = arith.andi %get3A_655, %and3A_657 : vector<16xi32>
    %gather3A_659 = tpu.vector_load_idx %arg13[%add3A_647, %and3A_658] : memref<512x16xf32, #tpu.memory_space<vmem>>[vector<16xi32>, vector<16xi32>], vector<16xf32>,
    %add3A_660 = arith.addf %gather3A_653, %gather3A_659 : vector<16xf32>
    %get3A_661 = arith.constant 144 : index
    %get3A_662 = tpu.vector_load %arg14[%get3A_661] {strides = array<i32>} : memref<512xf32, #tpu.memory_space<vmem>>, vector<16xf32>,
    %add3A_663 = arith.addf %add3A_660, %get3A_662 : vector<16xf32>
    %swap3A_664 = arith.constant 144 : index
    %swap3A_665 = tpu.vector_load %arg15[%swap3A_664] {strides = array<i32>} : memref<512xf32, #tpu.memory_space<vmem>>, vector<16xf32>,
    tpu.vector_store %arg15[%swap3A_664], %add3A_663 {strides = array<i32>} : memref<512xf32, #tpu.memory_space<vmem>>, vector<16xf32>,
    %add3A_666 = arith.constant 160 : i32
    %add3A_667 = vector.broadcast %add3A_666 : i32 to vector<16xi32>
    %add3A_668 = arith.addi %iota3A, %add3A_667 : vector<16xi32>
    %get3A_669 = arith.constant 160 : index
    %get3A_670 = tpu.vector_load %arg9[%get3A_669] {strides = array<i32>} : memref<512xi32, #tpu.memory_space<vmem>>, vector<16xi32>,
    %and3A_671 = arith.constant 15 : i32
    %and3A_672 = vector.broadcast %and3A_671 : i32 to vector<16xi32>
    %and3A_673 = arith.andi %get3A_670, %and3A_672 : vector<16xi32>
    %gather3A_674 = tpu.vector_load_idx %arg12[%add3A_668, %and3A_673] : memref<512x16xf32, #tpu.memory_space<vmem>>[vector<16xi32>, vector<16xi32>], vector<16xf32>,
    %get3A_675 = arith.constant 160 : index
    %get3A_676 = tpu.vector_load %arg8[%get3A_675] {strides = array<i32>} : memref<512xi32, #tpu.memory_space<vmem>>, vector<16xi32>,
    %and3A_677 = arith.constant 15 : i32
    %and3A_678 = vector.broadcast %and3A_677 : i32 to vector<16xi32>
    %and3A_679 = arith.andi %get3A_676, %and3A_678 : vector<16xi32>
    %gather3A_680 = tpu.vector_load_idx %arg13[%add3A_668, %and3A_679] : memref<512x16xf32, #tpu.memory_space<vmem>>[vector<16xi32>, vector<16xi32>], vector<16xf32>,
    %add3A_681 = arith.addf %gather3A_674, %gather3A_680 : vector<16xf32>
    %get3A_682 = arith.constant 160 : index
    %get3A_683 = tpu.vector_load %arg14[%get3A_682] {strides = array<i32>} : memref<512xf32, #tpu.memory_space<vmem>>, vector<16xf32>,
    %add3A_684 = arith.addf %add3A_681, %get3A_683 : vector<16xf32>
    %swap3A_685 = arith.constant 160 : index
    %swap3A_686 = tpu.vector_load %arg15[%swap3A_685] {strides = array<i32>} : memref<512xf32, #tpu.memory_space<vmem>>, vector<16xf32>,
    tpu.vector_store %arg15[%swap3A_685], %add3A_684 {strides = array<i32>} : memref<512xf32, #tpu.memory_space<vmem>>, vector<16xf32>,
    %add3A_687 = arith.constant 176 : i32
    %add3A_688 = vector.broadcast %add3A_687 : i32 to vector<16xi32>
    %add3A_689 = arith.addi %iota3A, %add3A_688 : vector<16xi32>
    %get3A_690 = arith.constant 176 : index
    %get3A_691 = tpu.vector_load %arg9[%get3A_690] {strides = array<i32>} : memref<512xi32, #tpu.memory_space<vmem>>, vector<16xi32>,
    %and3A_692 = arith.constant 15 : i32
    %and3A_693 = vector.broadcast %and3A_692 : i32 to vector<16xi32>
    %and3A_694 = arith.andi %get3A_691, %and3A_693 : vector<16xi32>
    %gather3A_695 = tpu.vector_load_idx %arg12[%add3A_689, %and3A_694] : memref<512x16xf32, #tpu.memory_space<vmem>>[vector<16xi32>, vector<16xi32>], vector<16xf32>,
    %get3A_696 = arith.constant 176 : index
    %get3A_697 = tpu.vector_load %arg8[%get3A_696] {strides = array<i32>} : memref<512xi32, #tpu.memory_space<vmem>>, vector<16xi32>,
    %and3A_698 = arith.constant 15 : i32
    %and3A_699 = vector.broadcast %and3A_698 : i32 to vector<16xi32>
    %and3A_700 = arith.andi %get3A_697, %and3A_699 : vector<16xi32>
    %gather3A_701 = tpu.vector_load_idx %arg13[%add3A_689, %and3A_700] : memref<512x16xf32, #tpu.memory_space<vmem>>[vector<16xi32>, vector<16xi32>], vector<16xf32>,
    %add3A_702 = arith.addf %gather3A_695, %gather3A_701 : vector<16xf32>
    %get3A_703 = arith.constant 176 : index
    %get3A_704 = tpu.vector_load %arg14[%get3A_703] {strides = array<i32>} : memref<512xf32, #tpu.memory_space<vmem>>, vector<16xf32>,
    %add3A_705 = arith.addf %add3A_702, %get3A_704 : vector<16xf32>
    %swap3A_706 = arith.constant 176 : index
    %swap3A_707 = tpu.vector_load %arg15[%swap3A_706] {strides = array<i32>} : memref<512xf32, #tpu.memory_space<vmem>>, vector<16xf32>,
    tpu.vector_store %arg15[%swap3A_706], %add3A_705 {strides = array<i32>} : memref<512xf32, #tpu.memory_space<vmem>>, vector<16xf32>,
    %add3A_708 = arith.constant 192 : i32
    %add3A_709 = vector.broadcast %add3A_708 : i32 to vector<16xi32>
    %add3A_710 = arith.addi %iota3A, %add3A_709 : vector<16xi32>
    %get3A_711 = arith.constant 192 : index
    %get3A_712 = tpu.vector_load %arg9[%get3A_711] {strides = array<i32>} : memref<512xi32, #tpu.memory_space<vmem>>, vector<16xi32>,
    %and3A_713 = arith.constant 15 : i32
    %and3A_714 = vector.broadcast %and3A_713 : i32 to vector<16xi32>
    %and3A_715 = arith.andi %get3A_712, %and3A_714 : vector<16xi32>
    %gather3A_716 = tpu.vector_load_idx %arg12[%add3A_710, %and3A_715] : memref<512x16xf32, #tpu.memory_space<vmem>>[vector<16xi32>, vector<16xi32>], vector<16xf32>,
    %get3A_717 = arith.constant 192 : index
    %get3A_718 = tpu.vector_load %arg8[%get3A_717] {strides = array<i32>} : memref<512xi32, #tpu.memory_space<vmem>>, vector<16xi32>,
    %and3A_719 = arith.constant 15 : i32
    %and3A_720 = vector.broadcast %and3A_719 : i32 to vector<16xi32>
    %and3A_721 = arith.andi %get3A_718, %and3A_720 : vector<16xi32>
    %gather3A_722 = tpu.vector_load_idx %arg13[%add3A_710, %and3A_721] : memref<512x16xf32, #tpu.memory_space<vmem>>[vector<16xi32>, vector<16xi32>], vector<16xf32>,
    %add3A_723 = arith.addf %gather3A_716, %gather3A_722 : vector<16xf32>
    %get3A_724 = arith.constant 192 : index
    %get3A_725 = tpu.vector_load %arg14[%get3A_724] {strides = array<i32>} : memref<512xf32, #tpu.memory_space<vmem>>, vector<16xf32>,
    %add3A_726 = arith.addf %add3A_723, %get3A_725 : vector<16xf32>
    %swap3A_727 = arith.constant 192 : index
    %swap3A_728 = tpu.vector_load %arg15[%swap3A_727] {strides = array<i32>} : memref<512xf32, #tpu.memory_space<vmem>>, vector<16xf32>,
    tpu.vector_store %arg15[%swap3A_727], %add3A_726 {strides = array<i32>} : memref<512xf32, #tpu.memory_space<vmem>>, vector<16xf32>,
    %add3A_729 = arith.constant 208 : i32
    %add3A_730 = vector.broadcast %add3A_729 : i32 to vector<16xi32>
    %add3A_731 = arith.addi %iota3A, %add3A_730 : vector<16xi32>
    %get3A_732 = arith.constant 208 : index
    %get3A_733 = tpu.vector_load %arg9[%get3A_732] {strides = array<i32>} : memref<512xi32, #tpu.memory_space<vmem>>, vector<16xi32>,
    %and3A_734 = arith.constant 15 : i32
    %and3A_735 = vector.broadcast %and3A_734 : i32 to vector<16xi32>
    %and3A_736 = arith.andi %get3A_733, %and3A_735 : vector<16xi32>
    %gather3A_737 = tpu.vector_load_idx %arg12[%add3A_731, %and3A_736] : memref<512x16xf32, #tpu.memory_space<vmem>>[vector<16xi32>, vector<16xi32>], vector<16xf32>,
    %get3A_738 = arith.constant 208 : index
    %get3A_739 = tpu.vector_load %arg8[%get3A_738] {strides = array<i32>} : memref<512xi32, #tpu.memory_space<vmem>>, vector<16xi32>,
    %and3A_740 = arith.constant 15 : i32
    %and3A_741 = vector.broadcast %and3A_740 : i32 to vector<16xi32>
    %and3A_742 = arith.andi %get3A_739, %and3A_741 : vector<16xi32>
    %gather3A_743 = tpu.vector_load_idx %arg13[%add3A_731, %and3A_742] : memref<512x16xf32, #tpu.memory_space<vmem>>[vector<16xi32>, vector<16xi32>], vector<16xf32>,
    %add3A_744 = arith.addf %gather3A_737, %gather3A_743 : vector<16xf32>
    %get3A_745 = arith.constant 208 : index
    %get3A_746 = tpu.vector_load %arg14[%get3A_745] {strides = array<i32>} : memref<512xf32, #tpu.memory_space<vmem>>, vector<16xf32>,
    %add3A_747 = arith.addf %add3A_744, %get3A_746 : vector<16xf32>
    %swap3A_748 = arith.constant 208 : index
    %swap3A_749 = tpu.vector_load %arg15[%swap3A_748] {strides = array<i32>} : memref<512xf32, #tpu.memory_space<vmem>>, vector<16xf32>,
    tpu.vector_store %arg15[%swap3A_748], %add3A_747 {strides = array<i32>} : memref<512xf32, #tpu.memory_space<vmem>>, vector<16xf32>,
    %add3A_750 = arith.constant 224 : i32
    %add3A_751 = vector.broadcast %add3A_750 : i32 to vector<16xi32>
    %add3A_752 = arith.addi %iota3A, %add3A_751 : vector<16xi32>
    %get3A_753 = arith.constant 224 : index
    %get3A_754 = tpu.vector_load %arg9[%get3A_753] {strides = array<i32>} : memref<512xi32, #tpu.memory_space<vmem>>, vector<16xi32>,
    %and3A_755 = arith.constant 15 : i32
    %and3A_756 = vector.broadcast %and3A_755 : i32 to vector<16xi32>
    %and3A_757 = arith.andi %get3A_754, %and3A_756 : vector<16xi32>
    %gather3A_758 = tpu.vector_load_idx %arg12[%add3A_752, %and3A_757] : memref<512x16xf32, #tpu.memory_space<vmem>>[vector<16xi32>, vector<16xi32>], vector<16xf32>,
    %get3A_759 = arith.constant 224 : index
    %get3A_760 = tpu.vector_load %arg8[%get3A_759] {strides = array<i32>} : memref<512xi32, #tpu.memory_space<vmem>>, vector<16xi32>,
    %and3A_761 = arith.constant 15 : i32
    %and3A_762 = vector.broadcast %and3A_761 : i32 to vector<16xi32>
    %and3A_763 = arith.andi %get3A_760, %and3A_762 : vector<16xi32>
    %gather3A_764 = tpu.vector_load_idx %arg13[%add3A_752, %and3A_763] : memref<512x16xf32, #tpu.memory_space<vmem>>[vector<16xi32>, vector<16xi32>], vector<16xf32>,
    %add3A_765 = arith.addf %gather3A_758, %gather3A_764 : vector<16xf32>
    %get3A_766 = arith.constant 224 : index
    %get3A_767 = tpu.vector_load %arg14[%get3A_766] {strides = array<i32>} : memref<512xf32, #tpu.memory_space<vmem>>, vector<16xf32>,
    %add3A_768 = arith.addf %add3A_765, %get3A_767 : vector<16xf32>
    %swap3A_769 = arith.constant 224 : index
    %swap3A_770 = tpu.vector_load %arg15[%swap3A_769] {strides = array<i32>} : memref<512xf32, #tpu.memory_space<vmem>>, vector<16xf32>,
    tpu.vector_store %arg15[%swap3A_769], %add3A_768 {strides = array<i32>} : memref<512xf32, #tpu.memory_space<vmem>>, vector<16xf32>,
    %add3A_771 = arith.constant 240 : i32
    %add3A_772 = vector.broadcast %add3A_771 : i32 to vector<16xi32>
    %add3A_773 = arith.addi %iota3A, %add3A_772 : vector<16xi32>
    %get3A_774 = arith.constant 240 : index
    %get3A_775 = tpu.vector_load %arg9[%get3A_774] {strides = array<i32>} : memref<512xi32, #tpu.memory_space<vmem>>, vector<16xi32>,
    %and3A_776 = arith.constant 15 : i32
    %and3A_777 = vector.broadcast %and3A_776 : i32 to vector<16xi32>
    %and3A_778 = arith.andi %get3A_775, %and3A_777 : vector<16xi32>
    %gather3A_779 = tpu.vector_load_idx %arg12[%add3A_773, %and3A_778] : memref<512x16xf32, #tpu.memory_space<vmem>>[vector<16xi32>, vector<16xi32>], vector<16xf32>,
    %get3A_780 = arith.constant 240 : index
    %get3A_781 = tpu.vector_load %arg8[%get3A_780] {strides = array<i32>} : memref<512xi32, #tpu.memory_space<vmem>>, vector<16xi32>,
    %and3A_782 = arith.constant 15 : i32
    %and3A_783 = vector.broadcast %and3A_782 : i32 to vector<16xi32>
    %and3A_784 = arith.andi %get3A_781, %and3A_783 : vector<16xi32>
    %gather3A_785 = tpu.vector_load_idx %arg13[%add3A_773, %and3A_784] : memref<512x16xf32, #tpu.memory_space<vmem>>[vector<16xi32>, vector<16xi32>], vector<16xf32>,
    %add3A_786 = arith.addf %gather3A_779, %gather3A_785 : vector<16xf32>
    %get3A_787 = arith.constant 240 : index
    %get3A_788 = tpu.vector_load %arg14[%get3A_787] {strides = array<i32>} : memref<512xf32, #tpu.memory_space<vmem>>, vector<16xf32>,
    %add3A_789 = arith.addf %add3A_786, %get3A_788 : vector<16xf32>
    %swap3A_790 = arith.constant 240 : index
    %swap3A_791 = tpu.vector_load %arg15[%swap3A_790] {strides = array<i32>} : memref<512xf32, #tpu.memory_space<vmem>>, vector<16xf32>,
    tpu.vector_store %arg15[%swap3A_790], %add3A_789 {strides = array<i32>} : memref<512xf32, #tpu.memory_space<vmem>>, vector<16xf32>,
    %add3A_792 = arith.constant 256 : i32
    %add3A_793 = vector.broadcast %add3A_792 : i32 to vector<16xi32>
    %add3A_794 = arith.addi %iota3A, %add3A_793 : vector<16xi32>
    %get3A_795 = arith.constant 256 : index
    %get3A_796 = tpu.vector_load %arg9[%get3A_795] {strides = array<i32>} : memref<512xi32, #tpu.memory_space<vmem>>, vector<16xi32>,
    %and3A_797 = arith.constant 15 : i32
    %and3A_798 = vector.broadcast %and3A_797 : i32 to vector<16xi32>
    %and3A_799 = arith.andi %get3A_796, %and3A_798 : vector<16xi32>
    %gather3A_800 = tpu.vector_load_idx %arg12[%add3A_794, %and3A_799] : memref<512x16xf32, #tpu.memory_space<vmem>>[vector<16xi32>, vector<16xi32>], vector<16xf32>,
    %get3A_801 = arith.constant 256 : index
    %get3A_802 = tpu.vector_load %arg8[%get3A_801] {strides = array<i32>} : memref<512xi32, #tpu.memory_space<vmem>>, vector<16xi32>,
    %and3A_803 = arith.constant 15 : i32
    %and3A_804 = vector.broadcast %and3A_803 : i32 to vector<16xi32>
    %and3A_805 = arith.andi %get3A_802, %and3A_804 : vector<16xi32>
    %gather3A_806 = tpu.vector_load_idx %arg13[%add3A_794, %and3A_805] : memref<512x16xf32, #tpu.memory_space<vmem>>[vector<16xi32>, vector<16xi32>], vector<16xf32>,
    %add3A_807 = arith.addf %gather3A_800, %gather3A_806 : vector<16xf32>
    %get3A_808 = arith.constant 256 : index
    %get3A_809 = tpu.vector_load %arg14[%get3A_808] {strides = array<i32>} : memref<512xf32, #tpu.memory_space<vmem>>, vector<16xf32>,
    %add3A_810 = arith.addf %add3A_807, %get3A_809 : vector<16xf32>
    %swap3A_811 = arith.constant 256 : index
    %swap3A_812 = tpu.vector_load %arg15[%swap3A_811] {strides = array<i32>} : memref<512xf32, #tpu.memory_space<vmem>>, vector<16xf32>,
    tpu.vector_store %arg15[%swap3A_811], %add3A_810 {strides = array<i32>} : memref<512xf32, #tpu.memory_space<vmem>>, vector<16xf32>,
    %add3A_813 = arith.constant 272 : i32
    %add3A_814 = vector.broadcast %add3A_813 : i32 to vector<16xi32>
    %add3A_815 = arith.addi %iota3A, %add3A_814 : vector<16xi32>
    %get3A_816 = arith.constant 272 : index
    %get3A_817 = tpu.vector_load %arg9[%get3A_816] {strides = array<i32>} : memref<512xi32, #tpu.memory_space<vmem>>, vector<16xi32>,
    %and3A_818 = arith.constant 15 : i32
    %and3A_819 = vector.broadcast %and3A_818 : i32 to vector<16xi32>
    %and3A_820 = arith.andi %get3A_817, %and3A_819 : vector<16xi32>
    %gather3A_821 = tpu.vector_load_idx %arg12[%add3A_815, %and3A_820] : memref<512x16xf32, #tpu.memory_space<vmem>>[vector<16xi32>, vector<16xi32>], vector<16xf32>,
    %get3A_822 = arith.constant 272 : index
    %get3A_823 = tpu.vector_load %arg8[%get3A_822] {strides = array<i32>} : memref<512xi32, #tpu.memory_space<vmem>>, vector<16xi32>,
    %and3A_824 = arith.constant 15 : i32
    %and3A_825 = vector.broadcast %and3A_824 : i32 to vector<16xi32>
    %and3A_826 = arith.andi %get3A_823, %and3A_825 : vector<16xi32>
    %gather3A_827 = tpu.vector_load_idx %arg13[%add3A_815, %and3A_826] : memref<512x16xf32, #tpu.memory_space<vmem>>[vector<16xi32>, vector<16xi32>], vector<16xf32>,
    %add3A_828 = arith.addf %gather3A_821, %gather3A_827 : vector<16xf32>
    %get3A_829 = arith.constant 272 : index
    %get3A_830 = tpu.vector_load %arg14[%get3A_829] {strides = array<i32>} : memref<512xf32, #tpu.memory_space<vmem>>, vector<16xf32>,
    %add3A_831 = arith.addf %add3A_828, %get3A_830 : vector<16xf32>
    %swap3A_832 = arith.constant 272 : index
    %swap3A_833 = tpu.vector_load %arg15[%swap3A_832] {strides = array<i32>} : memref<512xf32, #tpu.memory_space<vmem>>, vector<16xf32>,
    tpu.vector_store %arg15[%swap3A_832], %add3A_831 {strides = array<i32>} : memref<512xf32, #tpu.memory_space<vmem>>, vector<16xf32>,
    %add3A_834 = arith.constant 288 : i32
    %add3A_835 = vector.broadcast %add3A_834 : i32 to vector<16xi32>
    %add3A_836 = arith.addi %iota3A, %add3A_835 : vector<16xi32>
    %get3A_837 = arith.constant 288 : index
    %get3A_838 = tpu.vector_load %arg9[%get3A_837] {strides = array<i32>} : memref<512xi32, #tpu.memory_space<vmem>>, vector<16xi32>,
    %and3A_839 = arith.constant 15 : i32
    %and3A_840 = vector.broadcast %and3A_839 : i32 to vector<16xi32>
    %and3A_841 = arith.andi %get3A_838, %and3A_840 : vector<16xi32>
    %gather3A_842 = tpu.vector_load_idx %arg12[%add3A_836, %and3A_841] : memref<512x16xf32, #tpu.memory_space<vmem>>[vector<16xi32>, vector<16xi32>], vector<16xf32>,
    %get3A_843 = arith.constant 288 : index
    %get3A_844 = tpu.vector_load %arg8[%get3A_843] {strides = array<i32>} : memref<512xi32, #tpu.memory_space<vmem>>, vector<16xi32>,
    %and3A_845 = arith.constant 15 : i32
    %and3A_846 = vector.broadcast %and3A_845 : i32 to vector<16xi32>
    %and3A_847 = arith.andi %get3A_844, %and3A_846 : vector<16xi32>
    %gather3A_848 = tpu.vector_load_idx %arg13[%add3A_836, %and3A_847] : memref<512x16xf32, #tpu.memory_space<vmem>>[vector<16xi32>, vector<16xi32>], vector<16xf32>,
    %add3A_849 = arith.addf %gather3A_842, %gather3A_848 : vector<16xf32>
    %get3A_850 = arith.constant 288 : index
    %get3A_851 = tpu.vector_load %arg14[%get3A_850] {strides = array<i32>} : memref<512xf32, #tpu.memory_space<vmem>>, vector<16xf32>,
    %add3A_852 = arith.addf %add3A_849, %get3A_851 : vector<16xf32>
    %swap3A_853 = arith.constant 288 : index
    %swap3A_854 = tpu.vector_load %arg15[%swap3A_853] {strides = array<i32>} : memref<512xf32, #tpu.memory_space<vmem>>, vector<16xf32>,
    tpu.vector_store %arg15[%swap3A_853], %add3A_852 {strides = array<i32>} : memref<512xf32, #tpu.memory_space<vmem>>, vector<16xf32>,
    %add3A_855 = arith.constant 304 : i32
    %add3A_856 = vector.broadcast %add3A_855 : i32 to vector<16xi32>
    %add3A_857 = arith.addi %iota3A, %add3A_856 : vector<16xi32>
    %get3A_858 = arith.constant 304 : index
    %get3A_859 = tpu.vector_load %arg9[%get3A_858] {strides = array<i32>} : memref<512xi32, #tpu.memory_space<vmem>>, vector<16xi32>,
    %and3A_860 = arith.constant 15 : i32
    %and3A_861 = vector.broadcast %and3A_860 : i32 to vector<16xi32>
    %and3A_862 = arith.andi %get3A_859, %and3A_861 : vector<16xi32>
    %gather3A_863 = tpu.vector_load_idx %arg12[%add3A_857, %and3A_862] : memref<512x16xf32, #tpu.memory_space<vmem>>[vector<16xi32>, vector<16xi32>], vector<16xf32>,
    %get3A_864 = arith.constant 304 : index
    %get3A_865 = tpu.vector_load %arg8[%get3A_864] {strides = array<i32>} : memref<512xi32, #tpu.memory_space<vmem>>, vector<16xi32>,
    %and3A_866 = arith.constant 15 : i32
    %and3A_867 = vector.broadcast %and3A_866 : i32 to vector<16xi32>
    %and3A_868 = arith.andi %get3A_865, %and3A_867 : vector<16xi32>
    %gather3A_869 = tpu.vector_load_idx %arg13[%add3A_857, %and3A_868] : memref<512x16xf32, #tpu.memory_space<vmem>>[vector<16xi32>, vector<16xi32>], vector<16xf32>,
    %add3A_870 = arith.addf %gather3A_863, %gather3A_869 : vector<16xf32>
    %get3A_871 = arith.constant 304 : index
    %get3A_872 = tpu.vector_load %arg14[%get3A_871] {strides = array<i32>} : memref<512xf32, #tpu.memory_space<vmem>>, vector<16xf32>,
    %add3A_873 = arith.addf %add3A_870, %get3A_872 : vector<16xf32>
    %swap3A_874 = arith.constant 304 : index
    %swap3A_875 = tpu.vector_load %arg15[%swap3A_874] {strides = array<i32>} : memref<512xf32, #tpu.memory_space<vmem>>, vector<16xf32>,
    tpu.vector_store %arg15[%swap3A_874], %add3A_873 {strides = array<i32>} : memref<512xf32, #tpu.memory_space<vmem>>, vector<16xf32>,
    %add3A_876 = arith.constant 320 : i32
    %add3A_877 = vector.broadcast %add3A_876 : i32 to vector<16xi32>
    %add3A_878 = arith.addi %iota3A, %add3A_877 : vector<16xi32>
    %get3A_879 = arith.constant 320 : index
    %get3A_880 = tpu.vector_load %arg9[%get3A_879] {strides = array<i32>} : memref<512xi32, #tpu.memory_space<vmem>>, vector<16xi32>,
    %and3A_881 = arith.constant 15 : i32
    %and3A_882 = vector.broadcast %and3A_881 : i32 to vector<16xi32>
    %and3A_883 = arith.andi %get3A_880, %and3A_882 : vector<16xi32>
    %gather3A_884 = tpu.vector_load_idx %arg12[%add3A_878, %and3A_883] : memref<512x16xf32, #tpu.memory_space<vmem>>[vector<16xi32>, vector<16xi32>], vector<16xf32>,
    %get3A_885 = arith.constant 320 : index
    %get3A_886 = tpu.vector_load %arg8[%get3A_885] {strides = array<i32>} : memref<512xi32, #tpu.memory_space<vmem>>, vector<16xi32>,
    %and3A_887 = arith.constant 15 : i32
    %and3A_888 = vector.broadcast %and3A_887 : i32 to vector<16xi32>
    %and3A_889 = arith.andi %get3A_886, %and3A_888 : vector<16xi32>
    %gather3A_890 = tpu.vector_load_idx %arg13[%add3A_878, %and3A_889] : memref<512x16xf32, #tpu.memory_space<vmem>>[vector<16xi32>, vector<16xi32>], vector<16xf32>,
    %add3A_891 = arith.addf %gather3A_884, %gather3A_890 : vector<16xf32>
    %get3A_892 = arith.constant 320 : index
    %get3A_893 = tpu.vector_load %arg14[%get3A_892] {strides = array<i32>} : memref<512xf32, #tpu.memory_space<vmem>>, vector<16xf32>,
    %add3A_894 = arith.addf %add3A_891, %get3A_893 : vector<16xf32>
    %swap3A_895 = arith.constant 320 : index
    %swap3A_896 = tpu.vector_load %arg15[%swap3A_895] {strides = array<i32>} : memref<512xf32, #tpu.memory_space<vmem>>, vector<16xf32>,
    tpu.vector_store %arg15[%swap3A_895], %add3A_894 {strides = array<i32>} : memref<512xf32, #tpu.memory_space<vmem>>, vector<16xf32>,
    %add3A_897 = arith.constant 336 : i32
    %add3A_898 = vector.broadcast %add3A_897 : i32 to vector<16xi32>
    %add3A_899 = arith.addi %iota3A, %add3A_898 : vector<16xi32>
    %get3A_900 = arith.constant 336 : index
    %get3A_901 = tpu.vector_load %arg9[%get3A_900] {strides = array<i32>} : memref<512xi32, #tpu.memory_space<vmem>>, vector<16xi32>,
    %and3A_902 = arith.constant 15 : i32
    %and3A_903 = vector.broadcast %and3A_902 : i32 to vector<16xi32>
    %and3A_904 = arith.andi %get3A_901, %and3A_903 : vector<16xi32>
    %gather3A_905 = tpu.vector_load_idx %arg12[%add3A_899, %and3A_904] : memref<512x16xf32, #tpu.memory_space<vmem>>[vector<16xi32>, vector<16xi32>], vector<16xf32>,
    %get3A_906 = arith.constant 336 : index
    %get3A_907 = tpu.vector_load %arg8[%get3A_906] {strides = array<i32>} : memref<512xi32, #tpu.memory_space<vmem>>, vector<16xi32>,
    %and3A_908 = arith.constant 15 : i32
    %and3A_909 = vector.broadcast %and3A_908 : i32 to vector<16xi32>
    %and3A_910 = arith.andi %get3A_907, %and3A_909 : vector<16xi32>
    %gather3A_911 = tpu.vector_load_idx %arg13[%add3A_899, %and3A_910] : memref<512x16xf32, #tpu.memory_space<vmem>>[vector<16xi32>, vector<16xi32>], vector<16xf32>,
    %add3A_912 = arith.addf %gather3A_905, %gather3A_911 : vector<16xf32>
    %get3A_913 = arith.constant 336 : index
    %get3A_914 = tpu.vector_load %arg14[%get3A_913] {strides = array<i32>} : memref<512xf32, #tpu.memory_space<vmem>>, vector<16xf32>,
    %add3A_915 = arith.addf %add3A_912, %get3A_914 : vector<16xf32>
    %swap3A_916 = arith.constant 336 : index
    %swap3A_917 = tpu.vector_load %arg15[%swap3A_916] {strides = array<i32>} : memref<512xf32, #tpu.memory_space<vmem>>, vector<16xf32>,
    tpu.vector_store %arg15[%swap3A_916], %add3A_915 {strides = array<i32>} : memref<512xf32, #tpu.memory_space<vmem>>, vector<16xf32>,
    %add3A_918 = arith.constant 352 : i32
    %add3A_919 = vector.broadcast %add3A_918 : i32 to vector<16xi32>
    %add3A_920 = arith.addi %iota3A, %add3A_919 : vector<16xi32>
    %get3A_921 = arith.constant 352 : index
    %get3A_922 = tpu.vector_load %arg9[%get3A_921] {strides = array<i32>} : memref<512xi32, #tpu.memory_space<vmem>>, vector<16xi32>,
    %and3A_923 = arith.constant 15 : i32
    %and3A_924 = vector.broadcast %and3A_923 : i32 to vector<16xi32>
    %and3A_925 = arith.andi %get3A_922, %and3A_924 : vector<16xi32>
    %gather3A_926 = tpu.vector_load_idx %arg12[%add3A_920, %and3A_925] : memref<512x16xf32, #tpu.memory_space<vmem>>[vector<16xi32>, vector<16xi32>], vector<16xf32>,
    %get3A_927 = arith.constant 352 : index
    %get3A_928 = tpu.vector_load %arg8[%get3A_927] {strides = array<i32>} : memref<512xi32, #tpu.memory_space<vmem>>, vector<16xi32>,
    %and3A_929 = arith.constant 15 : i32
    %and3A_930 = vector.broadcast %and3A_929 : i32 to vector<16xi32>
    %and3A_931 = arith.andi %get3A_928, %and3A_930 : vector<16xi32>
    %gather3A_932 = tpu.vector_load_idx %arg13[%add3A_920, %and3A_931] : memref<512x16xf32, #tpu.memory_space<vmem>>[vector<16xi32>, vector<16xi32>], vector<16xf32>,
    %add3A_933 = arith.addf %gather3A_926, %gather3A_932 : vector<16xf32>
    %get3A_934 = arith.constant 352 : index
    %get3A_935 = tpu.vector_load %arg14[%get3A_934] {strides = array<i32>} : memref<512xf32, #tpu.memory_space<vmem>>, vector<16xf32>,
    %add3A_936 = arith.addf %add3A_933, %get3A_935 : vector<16xf32>
    %swap3A_937 = arith.constant 352 : index
    %swap3A_938 = tpu.vector_load %arg15[%swap3A_937] {strides = array<i32>} : memref<512xf32, #tpu.memory_space<vmem>>, vector<16xf32>,
    tpu.vector_store %arg15[%swap3A_937], %add3A_936 {strides = array<i32>} : memref<512xf32, #tpu.memory_space<vmem>>, vector<16xf32>,
    %add3A_939 = arith.constant 368 : i32
    %add3A_940 = vector.broadcast %add3A_939 : i32 to vector<16xi32>
    %add3A_941 = arith.addi %iota3A, %add3A_940 : vector<16xi32>
    %get3A_942 = arith.constant 368 : index
    %get3A_943 = tpu.vector_load %arg9[%get3A_942] {strides = array<i32>} : memref<512xi32, #tpu.memory_space<vmem>>, vector<16xi32>,
    %and3A_944 = arith.constant 15 : i32
    %and3A_945 = vector.broadcast %and3A_944 : i32 to vector<16xi32>
    %and3A_946 = arith.andi %get3A_943, %and3A_945 : vector<16xi32>
    %gather3A_947 = tpu.vector_load_idx %arg12[%add3A_941, %and3A_946] : memref<512x16xf32, #tpu.memory_space<vmem>>[vector<16xi32>, vector<16xi32>], vector<16xf32>,
    %get3A_948 = arith.constant 368 : index
    %get3A_949 = tpu.vector_load %arg8[%get3A_948] {strides = array<i32>} : memref<512xi32, #tpu.memory_space<vmem>>, vector<16xi32>,
    %and3A_950 = arith.constant 15 : i32
    %and3A_951 = vector.broadcast %and3A_950 : i32 to vector<16xi32>
    %and3A_952 = arith.andi %get3A_949, %and3A_951 : vector<16xi32>
    %gather3A_953 = tpu.vector_load_idx %arg13[%add3A_941, %and3A_952] : memref<512x16xf32, #tpu.memory_space<vmem>>[vector<16xi32>, vector<16xi32>], vector<16xf32>,
    %add3A_954 = arith.addf %gather3A_947, %gather3A_953 : vector<16xf32>
    %get3A_955 = arith.constant 368 : index
    %get3A_956 = tpu.vector_load %arg14[%get3A_955] {strides = array<i32>} : memref<512xf32, #tpu.memory_space<vmem>>, vector<16xf32>,
    %add3A_957 = arith.addf %add3A_954, %get3A_956 : vector<16xf32>
    %swap3A_958 = arith.constant 368 : index
    %swap3A_959 = tpu.vector_load %arg15[%swap3A_958] {strides = array<i32>} : memref<512xf32, #tpu.memory_space<vmem>>, vector<16xf32>,
    tpu.vector_store %arg15[%swap3A_958], %add3A_957 {strides = array<i32>} : memref<512xf32, #tpu.memory_space<vmem>>, vector<16xf32>,
    %add3A_960 = arith.constant 384 : i32
    %add3A_961 = vector.broadcast %add3A_960 : i32 to vector<16xi32>
    %add3A_962 = arith.addi %iota3A, %add3A_961 : vector<16xi32>
    %get3A_963 = arith.constant 384 : index
    %get3A_964 = tpu.vector_load %arg9[%get3A_963] {strides = array<i32>} : memref<512xi32, #tpu.memory_space<vmem>>, vector<16xi32>,
    %and3A_965 = arith.constant 15 : i32
    %and3A_966 = vector.broadcast %and3A_965 : i32 to vector<16xi32>
    %and3A_967 = arith.andi %get3A_964, %and3A_966 : vector<16xi32>
    %gather3A_968 = tpu.vector_load_idx %arg12[%add3A_962, %and3A_967] : memref<512x16xf32, #tpu.memory_space<vmem>>[vector<16xi32>, vector<16xi32>], vector<16xf32>,
    %get3A_969 = arith.constant 384 : index
    %get3A_970 = tpu.vector_load %arg8[%get3A_969] {strides = array<i32>} : memref<512xi32, #tpu.memory_space<vmem>>, vector<16xi32>,
    %and3A_971 = arith.constant 15 : i32
    %and3A_972 = vector.broadcast %and3A_971 : i32 to vector<16xi32>
    %and3A_973 = arith.andi %get3A_970, %and3A_972 : vector<16xi32>
    %gather3A_974 = tpu.vector_load_idx %arg13[%add3A_962, %and3A_973] : memref<512x16xf32, #tpu.memory_space<vmem>>[vector<16xi32>, vector<16xi32>], vector<16xf32>,
    %add3A_975 = arith.addf %gather3A_968, %gather3A_974 : vector<16xf32>
    %get3A_976 = arith.constant 384 : index
    %get3A_977 = tpu.vector_load %arg14[%get3A_976] {strides = array<i32>} : memref<512xf32, #tpu.memory_space<vmem>>, vector<16xf32>,
    %add3A_978 = arith.addf %add3A_975, %get3A_977 : vector<16xf32>
    %swap3A_979 = arith.constant 384 : index
    %swap3A_980 = tpu.vector_load %arg15[%swap3A_979] {strides = array<i32>} : memref<512xf32, #tpu.memory_space<vmem>>, vector<16xf32>,
    tpu.vector_store %arg15[%swap3A_979], %add3A_978 {strides = array<i32>} : memref<512xf32, #tpu.memory_space<vmem>>, vector<16xf32>,
    %add3A_981 = arith.constant 400 : i32
    %add3A_982 = vector.broadcast %add3A_981 : i32 to vector<16xi32>
    %add3A_983 = arith.addi %iota3A, %add3A_982 : vector<16xi32>
    %get3A_984 = arith.constant 400 : index
    %get3A_985 = tpu.vector_load %arg9[%get3A_984] {strides = array<i32>} : memref<512xi32, #tpu.memory_space<vmem>>, vector<16xi32>,
    %and3A_986 = arith.constant 15 : i32
    %and3A_987 = vector.broadcast %and3A_986 : i32 to vector<16xi32>
    %and3A_988 = arith.andi %get3A_985, %and3A_987 : vector<16xi32>
    %gather3A_989 = tpu.vector_load_idx %arg12[%add3A_983, %and3A_988] : memref<512x16xf32, #tpu.memory_space<vmem>>[vector<16xi32>, vector<16xi32>], vector<16xf32>,
    %get3A_990 = arith.constant 400 : index
    %get3A_991 = tpu.vector_load %arg8[%get3A_990] {strides = array<i32>} : memref<512xi32, #tpu.memory_space<vmem>>, vector<16xi32>,
    %and3A_992 = arith.constant 15 : i32
    %and3A_993 = vector.broadcast %and3A_992 : i32 to vector<16xi32>
    %and3A_994 = arith.andi %get3A_991, %and3A_993 : vector<16xi32>
    %gather3A_995 = tpu.vector_load_idx %arg13[%add3A_983, %and3A_994] : memref<512x16xf32, #tpu.memory_space<vmem>>[vector<16xi32>, vector<16xi32>], vector<16xf32>,
    %add3A_996 = arith.addf %gather3A_989, %gather3A_995 : vector<16xf32>
    %get3A_997 = arith.constant 400 : index
    %get3A_998 = tpu.vector_load %arg14[%get3A_997] {strides = array<i32>} : memref<512xf32, #tpu.memory_space<vmem>>, vector<16xf32>,
    %add3A_999 = arith.addf %add3A_996, %get3A_998 : vector<16xf32>
    %swap3A_1000 = arith.constant 400 : index
    %swap3A_1001 = tpu.vector_load %arg15[%swap3A_1000] {strides = array<i32>} : memref<512xf32, #tpu.memory_space<vmem>>, vector<16xf32>,
    tpu.vector_store %arg15[%swap3A_1000], %add3A_999 {strides = array<i32>} : memref<512xf32, #tpu.memory_space<vmem>>, vector<16xf32>,
    %add3A_1002 = arith.constant 416 : i32
    %add3A_1003 = vector.broadcast %add3A_1002 : i32 to vector<16xi32>
    %add3A_1004 = arith.addi %iota3A, %add3A_1003 : vector<16xi32>
    %get3A_1005 = arith.constant 416 : index
    %get3A_1006 = tpu.vector_load %arg9[%get3A_1005] {strides = array<i32>} : memref<512xi32, #tpu.memory_space<vmem>>, vector<16xi32>,
    %and3A_1007 = arith.constant 15 : i32
    %and3A_1008 = vector.broadcast %and3A_1007 : i32 to vector<16xi32>
    %and3A_1009 = arith.andi %get3A_1006, %and3A_1008 : vector<16xi32>
    %gather3A_1010 = tpu.vector_load_idx %arg12[%add3A_1004, %and3A_1009] : memref<512x16xf32, #tpu.memory_space<vmem>>[vector<16xi32>, vector<16xi32>], vector<16xf32>,
    %get3A_1011 = arith.constant 416 : index
    %get3A_1012 = tpu.vector_load %arg8[%get3A_1011] {strides = array<i32>} : memref<512xi32, #tpu.memory_space<vmem>>, vector<16xi32>,
    %and3A_1013 = arith.constant 15 : i32
    %and3A_1014 = vector.broadcast %and3A_1013 : i32 to vector<16xi32>
    %and3A_1015 = arith.andi %get3A_1012, %and3A_1014 : vector<16xi32>
    %gather3A_1016 = tpu.vector_load_idx %arg13[%add3A_1004, %and3A_1015] : memref<512x16xf32, #tpu.memory_space<vmem>>[vector<16xi32>, vector<16xi32>], vector<16xf32>,
    %add3A_1017 = arith.addf %gather3A_1010, %gather3A_1016 : vector<16xf32>
    %get3A_1018 = arith.constant 416 : index
    %get3A_1019 = tpu.vector_load %arg14[%get3A_1018] {strides = array<i32>} : memref<512xf32, #tpu.memory_space<vmem>>, vector<16xf32>,
    %add3A_1020 = arith.addf %add3A_1017, %get3A_1019 : vector<16xf32>
    %swap3A_1021 = arith.constant 416 : index
    %swap3A_1022 = tpu.vector_load %arg15[%swap3A_1021] {strides = array<i32>} : memref<512xf32, #tpu.memory_space<vmem>>, vector<16xf32>,
    tpu.vector_store %arg15[%swap3A_1021], %add3A_1020 {strides = array<i32>} : memref<512xf32, #tpu.memory_space<vmem>>, vector<16xf32>,
    %add3A_1023 = arith.constant 432 : i32
    %add3A_1024 = vector.broadcast %add3A_1023 : i32 to vector<16xi32>
    %add3A_1025 = arith.addi %iota3A, %add3A_1024 : vector<16xi32>
    %get3A_1026 = arith.constant 432 : index
    %get3A_1027 = tpu.vector_load %arg9[%get3A_1026] {strides = array<i32>} : memref<512xi32, #tpu.memory_space<vmem>>, vector<16xi32>,
    %and3A_1028 = arith.constant 15 : i32
    %and3A_1029 = vector.broadcast %and3A_1028 : i32 to vector<16xi32>
    %and3A_1030 = arith.andi %get3A_1027, %and3A_1029 : vector<16xi32>
    %gather3A_1031 = tpu.vector_load_idx %arg12[%add3A_1025, %and3A_1030] : memref<512x16xf32, #tpu.memory_space<vmem>>[vector<16xi32>, vector<16xi32>], vector<16xf32>,
    %get3A_1032 = arith.constant 432 : index
    %get3A_1033 = tpu.vector_load %arg8[%get3A_1032] {strides = array<i32>} : memref<512xi32, #tpu.memory_space<vmem>>, vector<16xi32>,
    %and3A_1034 = arith.constant 15 : i32
    %and3A_1035 = vector.broadcast %and3A_1034 : i32 to vector<16xi32>
    %and3A_1036 = arith.andi %get3A_1033, %and3A_1035 : vector<16xi32>
    %gather3A_1037 = tpu.vector_load_idx %arg13[%add3A_1025, %and3A_1036] : memref<512x16xf32, #tpu.memory_space<vmem>>[vector<16xi32>, vector<16xi32>], vector<16xf32>,
    %add3A_1038 = arith.addf %gather3A_1031, %gather3A_1037 : vector<16xf32>
    %get3A_1039 = arith.constant 432 : index
    %get3A_1040 = tpu.vector_load %arg14[%get3A_1039] {strides = array<i32>} : memref<512xf32, #tpu.memory_space<vmem>>, vector<16xf32>,
    %add3A_1041 = arith.addf %add3A_1038, %get3A_1040 : vector<16xf32>
    %swap3A_1042 = arith.constant 432 : index
    %swap3A_1043 = tpu.vector_load %arg15[%swap3A_1042] {strides = array<i32>} : memref<512xf32, #tpu.memory_space<vmem>>, vector<16xf32>,
    tpu.vector_store %arg15[%swap3A_1042], %add3A_1041 {strides = array<i32>} : memref<512xf32, #tpu.memory_space<vmem>>, vector<16xf32>,
    %add3A_1044 = arith.constant 448 : i32
    %add3A_1045 = vector.broadcast %add3A_1044 : i32 to vector<16xi32>
    %add3A_1046 = arith.addi %iota3A, %add3A_1045 : vector<16xi32>
    %get3A_1047 = arith.constant 448 : index
    %get3A_1048 = tpu.vector_load %arg9[%get3A_1047] {strides = array<i32>} : memref<512xi32, #tpu.memory_space<vmem>>, vector<16xi32>,
    %and3A_1049 = arith.constant 15 : i32
    %and3A_1050 = vector.broadcast %and3A_1049 : i32 to vector<16xi32>
    %and3A_1051 = arith.andi %get3A_1048, %and3A_1050 : vector<16xi32>
    %gather3A_1052 = tpu.vector_load_idx %arg12[%add3A_1046, %and3A_1051] : memref<512x16xf32, #tpu.memory_space<vmem>>[vector<16xi32>, vector<16xi32>], vector<16xf32>,
    %get3A_1053 = arith.constant 448 : index
    %get3A_1054 = tpu.vector_load %arg8[%get3A_1053] {strides = array<i32>} : memref<512xi32, #tpu.memory_space<vmem>>, vector<16xi32>,
    %and3A_1055 = arith.constant 15 : i32
    %and3A_1056 = vector.broadcast %and3A_1055 : i32 to vector<16xi32>
    %and3A_1057 = arith.andi %get3A_1054, %and3A_1056 : vector<16xi32>
    %gather3A_1058 = tpu.vector_load_idx %arg13[%add3A_1046, %and3A_1057] : memref<512x16xf32, #tpu.memory_space<vmem>>[vector<16xi32>, vector<16xi32>], vector<16xf32>,
    %add3A_1059 = arith.addf %gather3A_1052, %gather3A_1058 : vector<16xf32>
    %get3A_1060 = arith.constant 448 : index
    %get3A_1061 = tpu.vector_load %arg14[%get3A_1060] {strides = array<i32>} : memref<512xf32, #tpu.memory_space<vmem>>, vector<16xf32>,
    %add3A_1062 = arith.addf %add3A_1059, %get3A_1061 : vector<16xf32>
    %swap3A_1063 = arith.constant 448 : index
    %swap3A_1064 = tpu.vector_load %arg15[%swap3A_1063] {strides = array<i32>} : memref<512xf32, #tpu.memory_space<vmem>>, vector<16xf32>,
    tpu.vector_store %arg15[%swap3A_1063], %add3A_1062 {strides = array<i32>} : memref<512xf32, #tpu.memory_space<vmem>>, vector<16xf32>,
    %add3A_1065 = arith.constant 464 : i32
    %add3A_1066 = vector.broadcast %add3A_1065 : i32 to vector<16xi32>
    %add3A_1067 = arith.addi %iota3A, %add3A_1066 : vector<16xi32>
    %get3A_1068 = arith.constant 464 : index
    %get3A_1069 = tpu.vector_load %arg9[%get3A_1068] {strides = array<i32>} : memref<512xi32, #tpu.memory_space<vmem>>, vector<16xi32>,
    %and3A_1070 = arith.constant 15 : i32
    %and3A_1071 = vector.broadcast %and3A_1070 : i32 to vector<16xi32>
    %and3A_1072 = arith.andi %get3A_1069, %and3A_1071 : vector<16xi32>
    %gather3A_1073 = tpu.vector_load_idx %arg12[%add3A_1067, %and3A_1072] : memref<512x16xf32, #tpu.memory_space<vmem>>[vector<16xi32>, vector<16xi32>], vector<16xf32>,
    %get3A_1074 = arith.constant 464 : index
    %get3A_1075 = tpu.vector_load %arg8[%get3A_1074] {strides = array<i32>} : memref<512xi32, #tpu.memory_space<vmem>>, vector<16xi32>,
    %and3A_1076 = arith.constant 15 : i32
    %and3A_1077 = vector.broadcast %and3A_1076 : i32 to vector<16xi32>
    %and3A_1078 = arith.andi %get3A_1075, %and3A_1077 : vector<16xi32>
    %gather3A_1079 = tpu.vector_load_idx %arg13[%add3A_1067, %and3A_1078] : memref<512x16xf32, #tpu.memory_space<vmem>>[vector<16xi32>, vector<16xi32>], vector<16xf32>,
    %add3A_1080 = arith.addf %gather3A_1073, %gather3A_1079 : vector<16xf32>
    %get3A_1081 = arith.constant 464 : index
    %get3A_1082 = tpu.vector_load %arg14[%get3A_1081] {strides = array<i32>} : memref<512xf32, #tpu.memory_space<vmem>>, vector<16xf32>,
    %add3A_1083 = arith.addf %add3A_1080, %get3A_1082 : vector<16xf32>
    %swap3A_1084 = arith.constant 464 : index
    %swap3A_1085 = tpu.vector_load %arg15[%swap3A_1084] {strides = array<i32>} : memref<512xf32, #tpu.memory_space<vmem>>, vector<16xf32>,
    tpu.vector_store %arg15[%swap3A_1084], %add3A_1083 {strides = array<i32>} : memref<512xf32, #tpu.memory_space<vmem>>, vector<16xf32>,
    %add3A_1086 = arith.constant 480 : i32
    %add3A_1087 = vector.broadcast %add3A_1086 : i32 to vector<16xi32>
    %add3A_1088 = arith.addi %iota3A, %add3A_1087 : vector<16xi32>
    %get3A_1089 = arith.constant 480 : index
    %get3A_1090 = tpu.vector_load %arg9[%get3A_1089] {strides = array<i32>} : memref<512xi32, #tpu.memory_space<vmem>>, vector<16xi32>,
    %and3A_1091 = arith.constant 15 : i32
    %and3A_1092 = vector.broadcast %and3A_1091 : i32 to vector<16xi32>
    %and3A_1093 = arith.andi %get3A_1090, %and3A_1092 : vector<16xi32>
    %gather3A_1094 = tpu.vector_load_idx %arg12[%add3A_1088, %and3A_1093] : memref<512x16xf32, #tpu.memory_space<vmem>>[vector<16xi32>, vector<16xi32>], vector<16xf32>,
    %get3A_1095 = arith.constant 480 : index
    %get3A_1096 = tpu.vector_load %arg8[%get3A_1095] {strides = array<i32>} : memref<512xi32, #tpu.memory_space<vmem>>, vector<16xi32>,
    %and3A_1097 = arith.constant 15 : i32
    %and3A_1098 = vector.broadcast %and3A_1097 : i32 to vector<16xi32>
    %and3A_1099 = arith.andi %get3A_1096, %and3A_1098 : vector<16xi32>
    %gather3A_1100 = tpu.vector_load_idx %arg13[%add3A_1088, %and3A_1099] : memref<512x16xf32, #tpu.memory_space<vmem>>[vector<16xi32>, vector<16xi32>], vector<16xf32>,
    %add3A_1101 = arith.addf %gather3A_1094, %gather3A_1100 : vector<16xf32>
    %get3A_1102 = arith.constant 480 : index
    %get3A_1103 = tpu.vector_load %arg14[%get3A_1102] {strides = array<i32>} : memref<512xf32, #tpu.memory_space<vmem>>, vector<16xf32>,
    %add3A_1104 = arith.addf %add3A_1101, %get3A_1103 : vector<16xf32>
    %swap3A_1105 = arith.constant 480 : index
    %swap3A_1106 = tpu.vector_load %arg15[%swap3A_1105] {strides = array<i32>} : memref<512xf32, #tpu.memory_space<vmem>>, vector<16xf32>,
    tpu.vector_store %arg15[%swap3A_1105], %add3A_1104 {strides = array<i32>} : memref<512xf32, #tpu.memory_space<vmem>>, vector<16xf32>,
    %add3A_1107 = arith.constant 496 : i32
    %add3A_1108 = vector.broadcast %add3A_1107 : i32 to vector<16xi32>
    %add3A_1109 = arith.addi %iota3A, %add3A_1108 : vector<16xi32>
    %get3A_1110 = arith.constant 496 : index
    %get3A_1111 = tpu.vector_load %arg9[%get3A_1110] {strides = array<i32>} : memref<512xi32, #tpu.memory_space<vmem>>, vector<16xi32>,
    %and3A_1112 = arith.constant 15 : i32
    %and3A_1113 = vector.broadcast %and3A_1112 : i32 to vector<16xi32>
    %and3A_1114 = arith.andi %get3A_1111, %and3A_1113 : vector<16xi32>
    %gather3A_1115 = tpu.vector_load_idx %arg12[%add3A_1109, %and3A_1114] : memref<512x16xf32, #tpu.memory_space<vmem>>[vector<16xi32>, vector<16xi32>], vector<16xf32>,
    %get3A_1116 = arith.constant 496 : index
    %get3A_1117 = tpu.vector_load %arg8[%get3A_1116] {strides = array<i32>} : memref<512xi32, #tpu.memory_space<vmem>>, vector<16xi32>,
    %and3A_1118 = arith.constant 15 : i32
    %and3A_1119 = vector.broadcast %and3A_1118 : i32 to vector<16xi32>
    %and3A_1120 = arith.andi %get3A_1117, %and3A_1119 : vector<16xi32>
    %gather3A_1121 = tpu.vector_load_idx %arg13[%add3A_1109, %and3A_1120] : memref<512x16xf32, #tpu.memory_space<vmem>>[vector<16xi32>, vector<16xi32>], vector<16xf32>,
    %add3A_1122 = arith.addf %gather3A_1115, %gather3A_1121 : vector<16xf32>
    %get3A_1123 = arith.constant 496 : index
    %get3A_1124 = tpu.vector_load %arg14[%get3A_1123] {strides = array<i32>} : memref<512xf32, #tpu.memory_space<vmem>>, vector<16xf32>,
    %add3A_1125 = arith.addf %add3A_1122, %get3A_1124 : vector<16xf32>
    %swap3A_1126 = arith.constant 496 : index
    %swap3A_1127 = tpu.vector_load %arg15[%swap3A_1126] {strides = array<i32>} : memref<512xf32, #tpu.memory_space<vmem>>, vector<16xf32>,
    tpu.vector_store %arg15[%swap3A_1126], %add3A_1125 {strides = array<i32>} : memref<512xf32, #tpu.memory_space<vmem>>, vector<16xf32>,
    "tpu.region"() ({
      %run_scoped3A = tpu.sem_alloc : memref<!tpu.dma_semaphore, #tpu.memory_space<semaphore_mem>>
      %dma_start3A_1128 = tpu.memref_slice %arg7[%mul3A_2] : memref<16384xf32, #tpu.memory_space<hbm>> -> memref<512xf32, #tpu.memory_space<hbm>>
      %dma_start3A_1129 = tpu.memref_slice %arg7[%mul3A_2] : memref<16384xf32, #tpu.memory_space<hbm>> -> memref<512xf32, #tpu.memory_space<hbm>>
      tpu.enqueue_dma source(%arg15 : memref<512xf32, #tpu.memory_space<vmem>>) target(%dma_start3A_1129 : memref<512xf32, #tpu.memory_space<hbm>>) target_semaphore(%run_scoped3A : memref<!tpu.dma_semaphore, #tpu.memory_space<semaphore_mem>>)
      %dma_wait3A_1130 = tpu.memref_slice %arg7[%mul3A_2] : memref<16384xf32, #tpu.memory_space<hbm>> -> memref<512xf32, #tpu.memory_space<hbm>>
      %dma_wait3A_1131 = tpu.memref_slice %arg7[%mul3A_2] : memref<16384xf32, #tpu.memory_space<hbm>> -> memref<512xf32, #tpu.memory_space<hbm>>
      tpu.wait_dma2 semaphore(%run_scoped3A : memref<!tpu.dma_semaphore, #tpu.memory_space<semaphore_mem>>) src(%arg15 : memref<512xf32, #tpu.memory_space<vmem>>) dst(%dma_wait3A_1131 : memref<512xf32, #tpu.memory_space<hbm>>)
      tpu.yield
    }) : () -> ()
    return
  }
}

module attributes {stable_mosaic.version = 14 : i64} {
  func.func @_tc_body(%arg0: i32, %arg1: memref<272xf32, #tpu.memory_space<vmem>>, %arg2: memref<64x16384xf32, #tpu.memory_space<vmem>>, %arg3: memref<64x16384xf32, #tpu.memory_space<vmem>>, %arg4: memref<512x128xf32, #tpu.memory_space<vmem>>, %arg5: memref<1x1x16384xf32, #tpu.memory_space<vmem>>, %arg6: memref<1x1x16384xf32, #tpu.memory_space<vmem>>, %arg7: memref<512xf32, #tpu.memory_space<vmem>>) attributes {dimension_semantics = [#tpu.dimension_semantics<arbitrary>], iteration_bounds = array<i64: 62>, scalar_prefetch = 0 : i64, scratch_operands = 0 : i64, tpu.core_type = #tpu.core_type<tc>, window_params = [{pipeline_mode = #tpu.pipeline_mode<synchronous>, transform_indices = @transform_0, window_bounds = array<i64: 272>}, {transform_indices = @transform_1, window_bounds = array<i64: 64, 16384>}, {transform_indices = @transform_2, window_bounds = array<i64: 64, 16384>}, {transform_indices = @transform_3, window_bounds = array<i64: 512, 128>}, {transform_indices = @transform_4, window_bounds = array<i64: 1, 1, 16384>}, {transform_indices = @transform_5, window_bounds = array<i64: 1, 1, 16384>}, {transform_indices = @transform_6, window_bounds = array<i64: 512>}]} {
    %get3A = arith.constant 0 : index
    %get3A_0 = vector.load %arg1[%get3A] : memref<272xf32, #tpu.memory_space<vmem>>, vector<64xf32>
    %broadcast_in_dim3A = vector.shape_cast %get3A_0 : vector<64xf32> to vector<1x64xf32>
    %get3A_1 = arith.constant 64 : index
    %get3A_2 = vector.load %arg1[%get3A_1] : memref<272xf32, #tpu.memory_space<vmem>>, vector<64xf32>
    %broadcast_in_dim3A_3 = vector.shape_cast %get3A_2 : vector<64xf32> to vector<1x64xf32>
    %get3A_4 = arith.constant 0 : index
    %get3A_5 = arith.constant 0 : index
    %get3A_6 = vector.load %arg2[%get3A_4, %get3A_5] : memref<64x16384xf32, #tpu.memory_space<vmem>>, vector<64x16384xf32>
    %dot_general3A = arith.constant dense<0.000000e+00> : vector<1x16384xf32>
    %dot_general3A_7 = tpu.matmul %broadcast_in_dim3A, %get3A_6, %dot_general3A {dimension_numbers = #tpu.dot_dimension_numbers<[1], [0], [0], [1], [0, 0, 1, 1], [], []>, transpose_lhs_hint = false} : vector<1x64xf32>, vector<64x16384xf32>, vector<1x16384xf32> -> vector<1x16384xf32>
    %broadcast_in_dim3A_8 = vector.shape_cast %dot_general3A_7 : vector<1x16384xf32> to vector<1x1x16384xf32>
    %swap3A = arith.constant 0 : index
    %swap3A_9 = arith.constant 0 : index
    %swap3A_10 = arith.constant 0 : index
    %swap3A_11 = vector.load %arg5[%swap3A, %swap3A_9, %swap3A_10] : memref<1x1x16384xf32, #tpu.memory_space<vmem>>, vector<1x1x16384xf32>
    tpu.vector_store %arg5[%swap3A, %swap3A_9, %swap3A_10], %broadcast_in_dim3A_8 {strides = array<i32>} : memref<1x1x16384xf32, #tpu.memory_space<vmem>>, vector<1x1x16384xf32>,
    %get3A_12 = arith.constant 0 : index
    %get3A_13 = arith.constant 0 : index
    %get3A_14 = vector.load %arg3[%get3A_12, %get3A_13] : memref<64x16384xf32, #tpu.memory_space<vmem>>, vector<64x16384xf32>
    %dot_general3A_15 = arith.constant dense<0.000000e+00> : vector<1x16384xf32>
    %dot_general3A_16 = tpu.matmul %broadcast_in_dim3A_3, %get3A_14, %dot_general3A_15 {dimension_numbers = #tpu.dot_dimension_numbers<[1], [0], [0], [1], [0, 0, 1, 1], [], []>, transpose_lhs_hint = false} : vector<1x64xf32>, vector<64x16384xf32>, vector<1x16384xf32> -> vector<1x16384xf32>
    %broadcast_in_dim3A_17 = vector.shape_cast %dot_general3A_16 : vector<1x16384xf32> to vector<1x1x16384xf32>
    %swap3A_18 = arith.constant 0 : index
    %swap3A_19 = arith.constant 0 : index
    %swap3A_20 = arith.constant 0 : index
    %swap3A_21 = vector.load %arg6[%swap3A_18, %swap3A_19, %swap3A_20] : memref<1x1x16384xf32, #tpu.memory_space<vmem>>, vector<1x1x16384xf32>
    tpu.vector_store %arg6[%swap3A_18, %swap3A_19, %swap3A_20], %broadcast_in_dim3A_17 {strides = array<i32>} : memref<1x1x16384xf32, #tpu.memory_space<vmem>>, vector<1x1x16384xf32>,
    %get3A_22 = arith.constant 128 : index
    %get3A_23 = vector.load %arg1[%get3A_22] : memref<272xf32, #tpu.memory_space<vmem>>, vector<128xf32>
    %broadcast_in_dim3A_24 = vector.shape_cast %get3A_23 : vector<128xf32> to vector<128x1xf32>
    %get3A_25 = arith.constant 256 : index
    %get3A_26 = vector.load %arg1[%get3A_25] : memref<272xf32, #tpu.memory_space<vmem>>, vector<1xf32>
    %get3A_27 = vector.extract %get3A_26[0] : f32 from vector<1xf32>
    %get3A_28 = arith.constant 0 : index
    %get3A_29 = arith.constant 0 : index
    %get3A_30 = vector.load %arg4[%get3A_28, %get3A_29] : memref<512x128xf32, #tpu.memory_space<vmem>>, vector<512x128xf32>
    %dot_general3A_31 = arith.constant dense<0.000000e+00> : vector<512x1xf32>
    %dot_general3A_32 = tpu.matmul %get3A_30, %broadcast_in_dim3A_24, %dot_general3A_31 {dimension_numbers = #tpu.dot_dimension_numbers<[1], [0], [0], [1], [0, 0, 1, 1], [], []>, transpose_lhs_hint = false} : vector<512x128xf32>, vector<128x1xf32>, vector<512x1xf32> -> vector<512x1xf32>
    %squeeze3A = vector.shape_cast %dot_general3A_32 : vector<512x1xf32> to vector<512xf32>
    %add3A = vector.broadcast %get3A_27 : f32 to vector<512xf32>
    %add3A_33 = arith.addf %squeeze3A, %add3A : vector<512xf32>
    %swap3A_34 = arith.constant 0 : index
    %swap3A_35 = vector.load %arg7[%swap3A_34] : memref<512xf32, #tpu.memory_space<vmem>>, vector<512xf32>
    tpu.vector_store %arg7[%swap3A_34], %add3A_33 {strides = array<i32>} : memref<512xf32, #tpu.memory_space<vmem>>, vector<512xf32>,
    return
  }
  func.func @transform_0(%arg0: i32) -> i32 {
    %c0_i32 = arith.constant 0 : i32
    %c0_i32_0 = arith.constant 0 : i32
    return %c0_i32 : i32
  }
  func.func @transform_1(%arg0: i32) -> (i32, i32) {
    %c0_i32 = arith.constant 0 : i32
    %c0_i32_0 = arith.constant 0 : i32
    return %c0_i32, %arg0 : i32, i32
  }
  func.func @transform_2(%arg0: i32) -> (i32, i32) {
    %c0_i32 = arith.constant 0 : i32
    %c0_i32_0 = arith.constant 0 : i32
    return %c0_i32, %arg0 : i32, i32
  }
  func.func @transform_3(%arg0: i32) -> (i32, i32) {
    %mul3A = arith.constant 32 : i32
    %mul3A_0 = arith.muli %arg0, %mul3A : i32
    %jit3A = arith.constant 62 : i32
    %div3A = arith.divsi %mul3A_0, %jit3A : i32
    %sign3A = arith.constant 0 : i32
    %sign3A_1 = arith.cmpi sgt, %mul3A_0, %sign3A : i32
    %sign3A_2 = arith.extui %sign3A_1 : i1 to i32
    %sign3A_3 = arith.constant 0 : i32
    %sign3A_4 = arith.cmpi slt, %mul3A_0, %sign3A_3 : i32
    %sign3A_5 = arith.extui %sign3A_4 : i1 to i32
    %sign3A_6 = arith.subi %sign3A_2, %sign3A_5 : i32
    %sign3A_7 = arith.constant 0 : i32
    %sign3A_8 = arith.cmpi sgt, %jit3A, %sign3A_7 : i32
    %sign3A_9 = arith.extui %sign3A_8 : i1 to i32
    %sign3A_10 = arith.constant 0 : i32
    %sign3A_11 = arith.cmpi slt, %jit3A, %sign3A_10 : i32
    %sign3A_12 = arith.extui %sign3A_11 : i1 to i32
    %sign3A_13 = arith.subi %sign3A_9, %sign3A_12 : i32
    %ne3A = arith.cmpi ne, %sign3A_6, %sign3A_13 : i32
    %rem3A = arith.remsi %mul3A_0, %jit3A : i32
    %ne3A_14 = arith.constant 0 : i32
    %ne3A_15 = arith.cmpi ne, %rem3A, %ne3A_14 : i32
    %and3A = arith.andi %ne3A, %ne3A_15 : i1
    %sub3A = arith.constant 1 : i32
    %sub3A_16 = arith.subi %div3A, %sub3A : i32
    %select_n3A = arith.select %and3A, %sub3A_16, %div3A : i32
    %c0_i32 = arith.constant 0 : i32
    %c0_i32_17 = arith.constant 0 : i32
    return %select_n3A, %c0_i32 : i32, i32
  }
  func.func @transform_4(%arg0: i32) -> (i32, i32, i32) {
    %c0_i32 = arith.constant 0 : i32
    %c0_i32_0 = arith.constant 0 : i32
    %c0_i32_1 = arith.constant 0 : i32
    return %arg0, %c0_i32, %c0_i32_0 : i32, i32, i32
  }
  func.func @transform_5(%arg0: i32) -> (i32, i32, i32) {
    %c0_i32 = arith.constant 0 : i32
    %c0_i32_0 = arith.constant 0 : i32
    %c0_i32_1 = arith.constant 0 : i32
    return %arg0, %c0_i32, %c0_i32_0 : i32, i32, i32
  }
  func.func @transform_6(%arg0: i32) -> i32 {
    %mul3A = arith.constant 32 : i32
    %mul3A_0 = arith.muli %arg0, %mul3A : i32
    %jit3A = arith.constant 62 : i32
    %div3A = arith.divsi %mul3A_0, %jit3A : i32
    %sign3A = arith.constant 0 : i32
    %sign3A_1 = arith.cmpi sgt, %mul3A_0, %sign3A : i32
    %sign3A_2 = arith.extui %sign3A_1 : i1 to i32
    %sign3A_3 = arith.constant 0 : i32
    %sign3A_4 = arith.cmpi slt, %mul3A_0, %sign3A_3 : i32
    %sign3A_5 = arith.extui %sign3A_4 : i1 to i32
    %sign3A_6 = arith.subi %sign3A_2, %sign3A_5 : i32
    %sign3A_7 = arith.constant 0 : i32
    %sign3A_8 = arith.cmpi sgt, %jit3A, %sign3A_7 : i32
    %sign3A_9 = arith.extui %sign3A_8 : i1 to i32
    %sign3A_10 = arith.constant 0 : i32
    %sign3A_11 = arith.cmpi slt, %jit3A, %sign3A_10 : i32
    %sign3A_12 = arith.extui %sign3A_11 : i1 to i32
    %sign3A_13 = arith.subi %sign3A_9, %sign3A_12 : i32
    %ne3A = arith.cmpi ne, %sign3A_6, %sign3A_13 : i32
    %rem3A = arith.remsi %mul3A_0, %jit3A : i32
    %ne3A_14 = arith.constant 0 : i32
    %ne3A_15 = arith.cmpi ne, %rem3A, %ne3A_14 : i32
    %and3A = arith.andi %ne3A, %ne3A_15 : i1
    %sub3A = arith.constant 1 : i32
    %sub3A_16 = arith.subi %div3A, %sub3A : i32
    %select_n3A = arith.select %and3A, %sub3A_16, %div3A : i32
    %c0_i32 = arith.constant 0 : i32
    return %select_n3A : i32
  }
}

</mosaic_0001>

<sc_bundles>
// kernel: kernel.4.cloned.1.call-start
scs
__scs_entry_jumppad:
0x0: {  	(pc) =	sbr.rel $0x88, $3  }
0x1: {  	(tag) =	ssettag $0x0;
	lr =	simm.s32 $0x1  }
0x2: {  	[smem:$0x3F9B] =	sst lr;
	_ =	strace $0xD0000000  }
0x3: {  	_ = 	snop  }
0x4: {  	_ = 	snop  }
0x5: {  	_ = 	snop  }
0x6: {  	_ = 	snop  }
0x7: {  	_ = 	snop  }
__scs_overlays_trampoline_lowered:
0x8: {  	[smem:$0x3FAA] =	sst s0  }
0x9: {  	[smem:$0x3FAB] =	sst s1  }
0xa: {  	[smem:$0x3FAC] =	sst s2  }
0xb: {  	[smem:$0x3FAD] =	sst s3  }
0xc: {  	[smem:$0x3FAE] =	sst s4  }
0xd: {  	[smem:$0x3FAF] =	sst s5  }
0xe: {  	[smem:$0x3FB0] =	sst s6  }
0xf: {  	[smem:$0x3FB1] =	sst s7  }
0x10: {  	[smem:$0x3FB2] =	sst s8  }
0x11: {  	[smem:$0x3FB3] =	sst s9;
	s0 =	simm.s32 @!p0 $0x0  }
0x12: {  	s1 =	sld [smem:$0x3F99];
	s0 =	simm.s32 @p0 $0x1  }
0x13: {  	[smem:$0x3FB4] =	sst s0;
	s0 =	simm.s32 @!p1 $0x0  }
0x14: {  	s2 =	sld [smem:$0x3F98];
	s0 =	simm.s32 @p1 $0x1  }
0x15: {  	[smem:$0x3FB5] =	sst s0;
	s0 =	simm.s32 @!p2 $0x0  }
0x16: {  	s3 =	sld [smem:$0x3FDB];
	s0 =	simm.s32 @p2 $0x1  }
0x17: {  	s4 =	simm.s32 $0x1BF5;
	[smem:$0x3FB7] =	sst s0  }
0x18: {  	s0 =	sld [smem:$0x3F9A];
	_ =	swait.ge [sflag:s4], $0x0  }
0x19: {  	s7 =	sld [smem:$0x3F9B]  }
0x1a: {  	s8 =	sadd.s32 $0xFFFFE003, lr  }
0x1b: {  	s9 =	sadd.s32 $0xFFFFFEF7, lr;
	s5 =	simm.s32 $0xFFFFFFFF;
	p2 =	slt.u32 s8, $0xFFFFF086  }
0x1c: {  	p1 =	slt.u32 s9, $0xF7A;
	s5 =	simm.s32 @!p2 $0x0  }
0x1d: {  	s5 =	simm.s32 @p1 $0x1;
	p0 =	seq.s32 s7, s2  }
0x1e: {  	s7 =	smul.u32 @!p0 $0xF7A, s2;
	p2 =	seq.s32 @!p0 s5, $0x0  }
0x1f: {  	s9 =	smul.u32 $0xF7A, s1;
	s8 =	simm.s32 @!p0 $0x1BF5;
	p2 =	por !p2, p0  }
0x20: {  	[sflag:s8] =	ssyncset.s32 @!p0 $0xFFFFF086;
	s6 =	sadd.s32 @!p0 s3, s7;
	s7 =	simm.s32 @!p0 $0x108  }
0x21: {  	s3 =	sadd.s32 s3, s9;
	s6 =	sadd.s32 @!p0 $0x88, s6;
	s7 =	simm.s32 @p2 $0x1082  }
0x22: {  	[simem:s7], [sflag:s8] =	dma.local @!p0 [hbm:s6], $0xF7A  }
0x23: {  	s9 =	sor.u32 $0xD0000000, s2;
	s6 =	simm.s32 $0x108;
	_ =	swait.ge @!p0 [sflag:s8], $0x0  }
0x24: {  	s3 =	sadd.s32 $0x88, s3;
	s6 =	simm.s32 @!p1 $0x1082;
	[sflag:s4] =	ssyncset.s32 $0xFFFFF086  }
0x25: {  	[simem:s6], [sflag:s4] =	dma.local [hbm:s3], $0xF7A  }
0x26: {  	[smem:$0x3F9B] =	sst s1;
	(tag) =	ssettag s2;
	_ =	strace s9  }
0x27: {  	s1 =	sld [smem:$0x3FAB]  }
0x28: {  	s2 =	sld [smem:$0x3FAC]  }
0x29: {  	s4 =	sld [smem:$0x3FAE]  }
0x2a: {  	p0 =	seq.s32 s5, $0x0;
	s5 =	sld [smem:$0x3FAF]  }
0x2b: {  	s6 =	sld [smem:$0x3FB0]  }
0x2c: {  	s7 =	sld [smem:$0x3FB1]  }
0x2d: {  	s3 =	simm.s32 $0x108;
	s8 =	sld [smem:$0x3FB2]  }
0x2e: {  	s3 =	simm.s32 @!p0 $0x1082;
	s9 =	sld [smem:$0x3FB3]  }
0x2f: {  	lr =	sadd.s32 s0, s3;
	s0 =	sld [smem:$0x3FAA]  }
0x30: {  	s3 =	sld [smem:$0x3FAD]  }
0x31: {  	[smem:$0x3FB6] =	sst s10  }
0x32: {  	s10 =	sld [smem:$0x3FB4];
	_ =	sdelay $0x3  }
0x33: {  	p0 =	seq.s32 s10, $0x1;
	s10 =	sld [smem:$0x3FB6];
	_ =	sdelay $0x3  }
0x34: {  	[smem:$0x3FB6] =	sst s10  }
0x35: {  	s10 =	sld [smem:$0x3FB5];
	_ =	sdelay $0x3  }
0x36: {  	p1 =	seq.s32 s10, $0x1;
	s10 =	sld [smem:$0x3FB6];
	_ =	sdelay $0x3  }
0x37: {  	[smem:$0x3FB6] =	sst s10  }
0x38: {  	s10 =	sld [smem:$0x3FB7]  }
0x39: {  	_ = 	snop;
	(pc) =	sbr.ind lr, $3  }
0x3a: {  	_ = 	snop  }
0x3b: {  	_ = 	snop  }
0x3c: {  	p2 =	seq.s32 s10, $0x1;
	s10 =	sld [smem:$0x3FB6]  }
0x3d: {  	_ =	shalt  }
0x3e: {  	_ =	shalt  }
0x3f: {  	_ =	shalt  }
0x40: {  	_ =	shalt  }
0x41: {  	_ =	shalt  }
0x42: {  	_ =	shalt  }
0x43: {  	_ =	shalt  }
0x44: {  	_ =	shalt  }
0x45: {  	_ =	shalt  }
0x46: {  	_ =	shalt  }
0x47: {  	_ =	shalt  }
0x48: {  	_ =	shalt  }
0x49: {  	_ =	shalt  }
0x4a: {  	_ =	shalt  }
0x4b: {  	_ =	shalt  }
0x4c: {  	_ =	shalt  }
0x4d: {  	_ =	shalt  }
0x4e: {  	_ =	shalt  }
0x4f: {  	_ =	shalt  }
0x50: {  	_ =	shalt  }
0x51: {  	_ =	shalt  }
0x52: {  	_ =	shalt  }
0x53: {  	_ =	shalt  }
0x54: {  	_ =	shalt  }
0x55: {  	_ =	shalt  }
0x56: {  	_ =	shalt  }
0x57: {  	_ =	shalt  }
0x58: {  	_ =	shalt  }
0x59: {  	_ =	shalt  }
0x5a: {  	_ =	shalt  }
0x5b: {  	_ =	shalt  }
0x5c: {  	_ =	shalt  }
0x5d: {  	_ =	shalt  }
0x5e: {  	_ =	shalt  }
0x5f: {  	_ =	shalt  }
0x60: {  	_ =	shalt  }
0x61: {  	_ =	shalt  }
0x62: {  	_ =	shalt  }
0x63: {  	_ =	shalt  }
0x64: {  	_ =	shalt  }
0x65: {  	_ =	shalt  }
0x66: {  	_ =	shalt  }
0x67: {  	_ =	shalt  }
0x68: {  	_ =	shalt  }
0x69: {  	_ =	shalt  }
0x6a: {  	_ =	shalt  }
0x6b: {  	_ =	shalt  }
0x6c: {  	_ =	shalt  }
0x6d: {  	_ =	shalt  }
0x6e: {  	_ =	shalt  }
0x6f: {  	_ =	shalt  }
0x70: {  	_ =	shalt  }
0x71: {  	_ =	shalt  }
0x72: {  	_ =	shalt  }
0x73: {  	_ =	shalt  }
0x74: {  	_ =	shalt  }
0x75: {  	_ =	shalt  }
0x76: {  	_ =	shalt  }
0x77: {  	_ =	shalt  }
0x78: {  	_ =	shalt  }
0x79: {  	_ =	shalt  }
0x7a: {  	_ =	shalt  }
0x7b: {  	_ =	shalt  }
0x7c: {  	_ =	shalt  }
0x7d: {  	_ =	shalt  }
0x7e: {  	_ =	shalt  }
0x7f: {  	_ =	shalt  }
0x80: {  	_ =	shalt  }
0x81: {  	_ =	shalt  }
0x82: {  	_ =	shalt  }
0x83: {  	_ =	shalt  }
0x84: {  	_ =	shalt  }
0x85: {  	_ =	shalt  }
0x86: {  	_ =	shalt  }
0x87: {  	_ =	shalt  }
.Lfunc_end0:
.L_simem_size_0:
called_computation_lowered:
.L_overlay_start_0:
0x88: {  	s2 =	sld [smem:$0x3FD9]  }
0x89: {  	s3 =	sld [smem:$0x3FFE];
	_ =	sdelay $0x1  }
0x8a: {  	s1 =	srdreg.scid  }
0x8b: {  	s0 =	sand.u32 $0x1, s1  }
0x8c: {  	s17 =	sshll.u32 s0, $0xA;
	s2 =	sadd.s32 s3, s2  }
0x8d: {  	s2 =	sadd.s32 s2, s17  }
0x8e: {  	[smem:$0x3FC2] =	sst s2  }
0x8f: {  	_ = 	snop  }
0x90: {  	s2 =	sld [smem:$0x3FD0];
	(tm) =	ssettm $0x1  }
0x91: {  	s18 =	sld [smem:$0x3FFB];
	_ =	sdelay $0x3  }
0x92: {  	_ =	strace s18  }
0x93: {  	s3 =	sld [smem:$0x3FFC];
	_ =	sdelay $0x3  }
0x94: {  	_ =	strace s3  }
0x95: {  	s3 =	sld [smem:$0x3FFD];
	_ =	sdelay $0x3  }
0x96: {  	_ =	strace s3  }
0x97: {  	_ =	strace $0x8FFFFFFF  }
0x98: {  	s19 =	sld [smem:$0x3FDB];
	_ =	sdelay $0x1  }
0x99: {  	s4 =	simm.s32 $_scs_section_size  }
0x9a: {  	s5 =	simm.s32 $_size__tile_overlayer_lowered;
	s6 =	simm.s32 $_tile_overlayer_lowered  }
0x9b: {  	s22 =	simm.s32 $0x1BFF;
	s21 =	sshll.u32 s6, $0x1;
	s3 =	sadd.s32 s4, s19  }
0x9c: {  	s7 =	simm.s32 $0x0;
	s20 =	sshll.u32 s5, $0x1;
	s5 =	sadd.s32 s21, s3  }
0x9d: {  	[timem:s7], [sflag:s22] =	dma.local [hbm:s5], s20  }
0x9e: {  	_ =	swait.ge [sflag:s22], s20  }
0x9f: {  	s4 =	ssub.s32 $0x0, s20;
	[sflag:s22] =	ssyncset.done $0x0  }
0xa0: {  	[sflag:s22] =	ssyncadd.s32 s4;
	_ =	sdelay $0x1  }
0xa1: {  	s23 =	simm.s32 $0x1B8B  }
0xa2: {  	_ =	swait.ge [sflag:s23], $0x1  }
0xa3: {  	[sflag:s23] =	ssyncset.done $0x0  }
0xa4: {  	s25 =	simm.s32 $0x1B8E;
	s24 =	sld [smem:$0x3FFE];
	[sflag:s23] =	ssyncadd.s32 $0xFFFFFFFF  }
0xa5: {  	s26 =	simm.s32 $execute0_lowered;
	[smem:$0x3FD2] =	sst s25  }
0xa6: {  	s5 =	sshll.u32 s26, $0x1;
	_ =	strace $0x80000046;
	[dreg:$0x1] =	wrdreg $0xFFFFFFFF  }
0xa7: {  	s28 =	simm.s32 $_size_execute0_lowered;
	s3 =	sadd.s32 s3, s5;
	[dreg:$0x0] =	wrdreg $0x0  }
0xa8: {  	s5 =	sshll.u32 s28, $0x1;
	[dreg:$0x2] =	wrdreg s3  }
0xa9: {  	[dreg:$0x3] =	wrdreg s5  }
0xaa: {  	[dreg:$0x4] =	wrdreg $0xC0  }
0xab: {  	_ =	task [dreg:s7], $0x5FFFF  }
0xac: {  	[dreg:$0x1] =	wrdreg $0xFFFFFFFF  }
0xad: {  	[dreg:$0x0] =	wrdreg $0x60  }
0xae: {  	[dreg:$0x2] =	wrdreg s24  }
0xaf: {  	[dreg:$0x3] =	wrdreg s2  }
0xb0: {  	[dreg:$0x4] =	wrdreg $0x9  }
0xb1: {  	_ =	task.clear_ibuf [dreg:s7], $0x5FFFF;
	_ =	strace $0x90000046  }
0xb2: {  	s29 =	simm.s32 $0x9;
	_ =	strace $0x80000048  }
0xb3: {  	_ =	swait.ge [sflag:s29], $0x1  }
0xb4: {  	[sflag:s29] =	ssyncadd.s32 $0xFFFFFFFF  }
0xb5: {  	_ =	strace $0x90000048  }
0xb6: {  	_ =	sfence  }
0xb7: {  	s30 =	sld [smem:$0x0];
	_ =	sdelay $0x2  }
0xb8: {  	s31 =	sshll.u32 s1, $0xD;
	s1 =	sshrl.u32 s1, $0x2  }
0xb9: {  	s3 =	sand.u32 $0x4000, s31;
	s1 =	sadd.s32 s1, s30  }
0xba: {  	s0 =	sor.u32 s3, s0;
	s1 =	sshll.u32 s1, $0x11  }
0xbb: {  	s0 =	sor.u32 s1, s0  }
0xbc: {  	s0 =	sadd.s32 $0x8F2B, s0  }
0xbd: {  	[sflag:s0] =	ssyncadd.remote.s32 $0x1  }
0xbe: {  	_ =	sfence.sel $0xFFFF  }
0xbf: {  	[dreg:$0x0] =	wrdreg $0xFFFFFFFF;
	(pc) =	sbr.abs _section_cstart, $3  }
0xc0: {  	[dreg:$0x1] =	wrdreg $0xFFFFFFFF  }
0xc1: {  	_ =	task.clear_ibuf [dreg:s7], $0x2FFFF;
	_ =	strace $0x9FFFFFFF  }
0xc2: {  	(tm) =	ssettm $0x7FFFFFFF  }
0xc3: {  	_ =	shalt  }
tec
execute0_lowered:
.L_overlay_start_1:
0x0: {  	(tag) =	ssettag $0x1  }
0x1: {  	v0 =	vlaneseq.u32  }
0x2: {  	s5 =	rddreg [dreg:$0x0];
	v0 =	vmul.u32 $0x10, v0  }
0x3: {  	s8 =	rddreg [dreg:$0x1]  }
0x4: {  	s0 =	rddreg [dreg:$0x2];
	v1 =	vor.u32 $0x100, v0  }
0x5: {  	s1 =	simm.s32 $0x0;
	s3 =	srdreg.scid;
	s2 =	stileid.u32;
	v2 =	vor.u32 $0x200, v0;
	v3 =	vor.u32 $0x300, v0;
	v4 =	vor.u32 $0x400, v0  }
0x6: {  	s12 =	simm.s32 $0x600;
	s13 =	simm.s32 $0x800;
	s14 =	simm.s32 $0x400;
	v5 =	vor.u32 $0x500, v0;
	v6 =	vor.u32 $0x600, v0;
	v7 =	vor.u32 $0x700, v0  }
0x7: {  	s15 =	simm.s32 $0x2800;
	s16 =	simm.s32 $0x4800;
	s17 =	simm.s32 $0x1;
	v8 =	vor.u32 $0x800, v0;
	v9 =	vor.u32 $0x900, v0;
	v10 =	vor.u32 $0xA00, v0  }
0x8: {  	s18 =	simm.s32 $0x2;
	s19 =	simm.s32 $0x4A00;
	[smem:$0x7FF] =	sst s1;
	v11 =	vor.u32 $0xB00, v0;
	v12 =	vor.u32 $0xC00, v0;
	v13 =	vor.u32 $0xD00, v0  }
0x9: {  	s3 =	sand.u32 $0x1, s3;
	s4 =	sshll.u32 s2, $0x7;
	_ =	strace $0x80000047;
	v14 =	vor.u32 $0xE00, v0;
	v15 =	vor.u32 $0xF00, v0;
	v16 =	vor.u32 $0x1000, v0  }
0xa: {  	s6 =	sshll.u32 s3, $0x6;
	s7 =	ssub.s32 $0x2, s3;
	s3 =	sadd.s32 $0x2000, s5;
	v17 =	vor.u32 $0x1100, v0;
	v18 =	vor.u32 $0x1200, v0;
	v19 =	vor.u32 $0x1300, v0  }
0xb: {  	s9 =	sor.u32 s6, s4;
	s31 =	sshrl.u32 s7, $0x1;
	s4 =	sadd.s32 $0x21000, s5;
	v20 =	vor.u32 $0x1400, v0;
	v21 =	vor.u32 $0x1500, v0;
	v22 =	vor.u32 $0x1600, v0  }
0xc: {  	v23 =	vor.u32 $0x1700, v0;
	v24 =	vor.u32 $0x1800, v0;
	v25 =	vor.u32 $0x1900, v0;
	s10 =	sadd.s32 s9, s5;
	s11 =	ssub.s32 s7, s31;
	s8 =	sadd.s32 s8, s9  }
0xd: {  	v26 =	vor.u32 $0x1A00, v0;
	v27 =	vor.u32 $0x1B00, v0;
	v28 =	vor.u32 $0x1C00, v0;
	s5 =	sadd.s32 $0x1800, s10;
	s6 =	sadd.s32 $0x1000, s10;
	s7 =	sadd.s32 $0x40000, s10  }
0xe: {  	v29 =	vor.u32 $0x1D00, v0;
	v30 =	vor.u32 $0x1E00, v0;
	v31 =	vor.u32 $0x1F00, v0;
	s9 =	smax.u32 s11, $0x1;
	s10 =	simm.s32 $0x3;
	s11 =	simm.s32 $0x200  }
.LBB2_1:
0xf: {  	[tilespmem:s1], [sflag:$0x3] =	stream.linear.gather [hbm4b:s5+s1], $0x200, $0x38;
	[tilespmem:$0x4C00] =	vst v63  }
0x10: {  	_ =	swait.ge [sflag:s10], $0x200  }
0x11: {  	[sflag:s10] =	ssyncset.done $0x0  }
0x12: {  	[sflag:s10] =	ssyncadd.s32 $0xFFFFFE00  }
0x13: {  	[tilespmem:s11], [sflag:$0x3] =	stream.linear.gather [hbm4b:s6+s1], $0x200, $0x38;
	[tilespmem:$0x4C00] =	vst v63  }
0x14: {  	_ =	swait.ge [sflag:s10], $0x200  }
0x15: {  	[sflag:s10] =	ssyncset.done $0x0  }
0x16: {  	[sflag:s10] =	ssyncadd.s32 $0xFFFFFE00  }
0x17: {  	v32 =	vld [tilespmem:$0x0]  }
0x18: {  	v33 =	vld [tilespmem:$0x200]  }
0x19: {  	v34 =	vld [tilespmem:$0x10]  }
0x1a: {  	v35 =	vld [tilespmem:$0x210]  }
0x1b: {  	v36 =	vld [tilespmem:$0x20]  }
0x1c: {  	v37 =	vld [tilespmem:$0x220];
	v32 =	vshrl.u32 v32, $0x4  }
0x1d: {  	v45 =	vld [tilespmem:$0x30];
	v44 =	vshrl.u32 v33, $0x4;
	[tilespmem:$0x400] =	vst v32  }
0x1e: {  	v47 =	vld [tilespmem:$0x230];
	v46 =	vshrl.u32 v34, $0x4;
	[tilespmem:$0x600] =	vst v44  }
0x1f: {  	v49 =	vld [tilespmem:$0x40];
	v48 =	vshrl.u32 v35, $0x4;
	[tilespmem:$0x410] =	vst v46  }
0x20: {  	v51 =	vld [tilespmem:$0x240];
	v50 =	vshrl.u32 v36, $0x4;
	[tilespmem:$0x610] =	vst v48  }
0x21: {  	v53 =	vld [tilespmem:$0x50];
	v52 =	vshrl.u32 v37, $0x4;
	[tilespmem:$0x420] =	vst v50  }
0x22: {  	v55 =	vld [tilespmem:$0x250];
	v54 =	vshrl.u32 v45, $0x4;
	[tilespmem:$0x620] =	vst v52  }
0x23: {  	v57 =	vld [tilespmem:$0x60];
	v56 =	vshrl.u32 v47, $0x4;
	[tilespmem:$0x430] =	vst v54  }
0x24: {  	v59 =	vld [tilespmem:$0x260];
	v58 =	vshrl.u32 v49, $0x4;
	[tilespmem:$0x630] =	vst v56  }
0x25: {  	v61 =	vld [tilespmem:$0x70];
	v60 =	vshrl.u32 v51, $0x4;
	[tilespmem:$0x440] =	vst v58  }
0x26: {  	v63 =	vld [tilespmem:$0x270];
	v62 =	vshrl.u32 v53, $0x4;
	[tilespmem:$0x640] =	vst v60  }
0x27: {  	v41 =	vld [tilespmem:$0x80];
	v40 =	vshrl.u32 v55, $0x4;
	[tilespmem:$0x450] =	vst v62  }
0x28: {  	v43 =	vld [tilespmem:$0x280];
	v42 =	vshrl.u32 v57, $0x4;
	[tilespmem:$0x650] =	vst v40  }
0x29: {  	v45 =	vld [tilespmem:$0x90];
	[tilespmem:$0x460] =	vst v42;
	v44 =	vshrl.u32 v59, $0x4  }
0x2a: {  	v47 =	vld [tilespmem:$0x290];
	v46 =	vshrl.u32 v61, $0x4;
	[tilespmem:$0x660] =	vst v44  }
0x2b: {  	v49 =	vld [tilespmem:$0xA0];
	v48 =	vshrl.u32 v63, $0x4;
	[tilespmem:$0x470] =	vst v46  }
0x2c: {  	v51 =	vld [tilespmem:$0x2A0];
	v50 =	vshrl.u32 v41, $0x4;
	[tilespmem:$0x670] =	vst v48  }
0x2d: {  	v53 =	vld [tilespmem:$0xB0];
	v52 =	vshrl.u32 v43, $0x4;
	[tilespmem:$0x480] =	vst v50  }
0x2e: {  	v55 =	vld [tilespmem:$0x2B0];
	[tilespmem:$0x680] =	vst v52;
	v54 =	vshrl.u32 v45, $0x4  }
0x2f: {  	v57 =	vld [tilespmem:$0xC0];
	v56 =	vshrl.u32 v47, $0x4;
	[tilespmem:$0x490] =	vst v54  }
0x30: {  	v59 =	vld [tilespmem:$0x2C0];
	v58 =	vshrl.u32 v49, $0x4;
	[tilespmem:$0x690] =	vst v56  }
0x31: {  	v61 =	vld [tilespmem:$0xD0];
	v60 =	vshrl.u32 v51, $0x4;
	[tilespmem:$0x4A0] =	vst v58  }
0x32: {  	v63 =	vld [tilespmem:$0x2D0];
	v62 =	vshrl.u32 v53, $0x4;
	[tilespmem:$0x6A0] =	vst v60  }
0x33: {  	v41 =	vld [tilespmem:$0xE0];
	v40 =	vshrl.u32 v55, $0x4;
	[tilespmem:$0x4B0] =	vst v62  }
0x34: {  	v43 =	vld [tilespmem:$0x2E0];
	v42 =	vshrl.u32 v57, $0x4;
	[tilespmem:$0x6B0] =	vst v40  }
0x35: {  	v45 =	vld [tilespmem:$0xF0];
	[tilespmem:$0x4C0] =	vst v42;
	v44 =	vshrl.u32 v59, $0x4  }
0x36: {  	v47 =	vld [tilespmem:$0x2F0];
	v46 =	vshrl.u32 v61, $0x4;
	[tilespmem:$0x6C0] =	vst v44  }
0x37: {  	v49 =	vld [tilespmem:$0x100];
	v48 =	vshrl.u32 v63, $0x4;
	[tilespmem:$0x4D0] =	vst v46  }
0x38: {  	v51 =	vld [tilespmem:$0x300];
	v50 =	vshrl.u32 v41, $0x4;
	[tilespmem:$0x6D0] =	vst v48  }
0x39: {  	v53 =	vld [tilespmem:$0x110];
	v52 =	vshrl.u32 v43, $0x4;
	[tilespmem:$0x4E0] =	vst v50  }
0x3a: {  	v55 =	vld [tilespmem:$0x310];
	[tilespmem:$0x6E0] =	vst v52;
	v54 =	vshrl.u32 v45, $0x4  }
0x3b: {  	v57 =	vld [tilespmem:$0x120];
	v56 =	vshrl.u32 v47, $0x4;
	[tilespmem:$0x4F0] =	vst v54  }
0x3c: {  	v59 =	vld [tilespmem:$0x320];
	v58 =	vshrl.u32 v49, $0x4;
	[tilespmem:$0x6F0] =	vst v56  }
0x3d: {  	v61 =	vld [tilespmem:$0x130];
	v60 =	vshrl.u32 v51, $0x4;
	[tilespmem:$0x500] =	vst v58  }
0x3e: {  	v63 =	vld [tilespmem:$0x330];
	v62 =	vshrl.u32 v53, $0x4;
	[tilespmem:$0x700] =	vst v60  }
0x3f: {  	v41 =	vld [tilespmem:$0x140];
	v40 =	vshrl.u32 v55, $0x4;
	[tilespmem:$0x510] =	vst v62  }
0x40: {  	v43 =	vld [tilespmem:$0x340];
	v42 =	vshrl.u32 v57, $0x4;
	[tilespmem:$0x710] =	vst v40  }
0x41: {  	v45 =	vld [tilespmem:$0x150];
	[tilespmem:$0x520] =	vst v42;
	v44 =	vshrl.u32 v59, $0x4  }
0x42: {  	v47 =	vld [tilespmem:$0x350];
	v46 =	vshrl.u32 v61, $0x4;
	[tilespmem:$0x720] =	vst v44  }
0x43: {  	v49 =	vld [tilespmem:$0x160];
	v48 =	vshrl.u32 v63, $0x4;
	[tilespmem:$0x530] =	vst v46  }
0x44: {  	v51 =	vld [tilespmem:$0x360];
	v50 =	vshrl.u32 v41, $0x4;
	[tilespmem:$0x730] =	vst v48  }
0x45: {  	v53 =	vld [tilespmem:$0x170];
	v52 =	vshrl.u32 v43, $0x4;
	[tilespmem:$0x540] =	vst v50  }
0x46: {  	v55 =	vld [tilespmem:$0x370];
	[tilespmem:$0x740] =	vst v52;
	v54 =	vshrl.u32 v45, $0x4  }
0x47: {  	v57 =	vld [tilespmem:$0x180];
	v56 =	vshrl.u32 v47, $0x4;
	[tilespmem:$0x550] =	vst v54  }
0x48: {  	v59 =	vld [tilespmem:$0x380];
	v58 =	vshrl.u32 v49, $0x4;
	[tilespmem:$0x750] =	vst v56  }
0x49: {  	v61 =	vld [tilespmem:$0x190];
	v60 =	vshrl.u32 v51, $0x4;
	[tilespmem:$0x560] =	vst v58  }
0x4a: {  	v63 =	vld [tilespmem:$0x390];
	v62 =	vshrl.u32 v53, $0x4;
	[tilespmem:$0x760] =	vst v60  }
0x4b: {  	v41 =	vld [tilespmem:$0x1A0];
	v40 =	vshrl.u32 v55, $0x4;
	[tilespmem:$0x570] =	vst v62  }
0x4c: {  	v43 =	vld [tilespmem:$0x3A0];
	v42 =	vshrl.u32 v57, $0x4;
	[tilespmem:$0x770] =	vst v40  }
0x4d: {  	v45 =	vld [tilespmem:$0x1B0];
	[tilespmem:$0x580] =	vst v42;
	v44 =	vshrl.u32 v59, $0x4  }
0x4e: {  	v47 =	vld [tilespmem:$0x3B0];
	v46 =	vshrl.u32 v61, $0x4;
	[tilespmem:$0x780] =	vst v44  }
0x4f: {  	v49 =	vld [tilespmem:$0x1C0];
	v48 =	vshrl.u32 v63, $0x4;
	[tilespmem:$0x590] =	vst v46  }
0x50: {  	v51 =	vld [tilespmem:$0x3C0];
	v50 =	vshrl.u32 v41, $0x4;
	[tilespmem:$0x790] =	vst v48  }
0x51: {  	v53 =	vld [tilespmem:$0x1D0];
	v52 =	vshrl.u32 v43, $0x4;
	[tilespmem:$0x5A0] =	vst v50  }
0x52: {  	v55 =	vld [tilespmem:$0x3D0];
	[tilespmem:$0x7A0] =	vst v52;
	v54 =	vshrl.u32 v45, $0x4  }
0x53: {  	v57 =	vld [tilespmem:$0x1E0];
	v56 =	vshrl.u32 v47, $0x4;
	[tilespmem:$0x5B0] =	vst v54  }
0x54: {  	v59 =	vld [tilespmem:$0x3E0];
	v58 =	vshrl.u32 v49, $0x4;
	[tilespmem:$0x7B0] =	vst v56  }
0x55: {  	v61 =	vld [tilespmem:$0x1F0];
	v60 =	vshrl.u32 v51, $0x4;
	[tilespmem:$0x5C0] =	vst v58  }
0x56: {  	v63 =	vld [tilespmem:$0x3F0];
	v62 =	vshrl.u32 v53, $0x4;
	[tilespmem:$0x7C0] =	vst v60  }
0x57: {  	v38 =	vshrl.u32 v55, $0x4;
	[tilespmem:$0x5D0] =	vst v62  }
0x58: {  	v39 =	vshrl.u32 v57, $0x4;
	[tilespmem:$0x7D0] =	vst v38  }
0x59: {  	[tilespmem:$0x5E0] =	vst v39;
	v40 =	vshrl.u32 v59, $0x4  }
0x5a: {  	v41 =	vshrl.u32 v61, $0x4;
	[tilespmem:$0x7E0] =	vst v40  }
0x5b: {  	v42 =	vshrl.u32 v63, $0x4;
	[tilespmem:$0x5F0] =	vst v41  }
0x5c: {  	[tilespmem:$0x7F0] =	vst v42  }
0x5d: {  	[tilespmem:s13], [sflag:$0x1] =	stream.indirect.gather [hbm4b:s3+s11], $0x10, s12, s11, $0xb8;
	[tilespmem:$0x4C00] =	vst v63  }
0x5e: {  	_ = 	snop  }
0x5f: {  	[tilespmem:s15], [sflag:$0x2] =	stream.indirect.gather [hbm4b:s4+s11], $0x10, s14, s11, $0xb8;
	[tilespmem:$0x4C00] =	vst v63  }
0x60: {  	_ = 	snop  }
0x61: {  	[tilespmem:s16], [sflag:$0x3] =	stream.linear.gather [hbm4b:s7+s1], $0x200, $0x38;
	[tilespmem:$0x4C00] =	vst v63  }
0x62: {  	_ =	swait.ge [sflag:s10], $0x200  }
0x63: {  	[sflag:s10] =	ssyncset.done $0x0  }
0x64: {  	[sflag:s10] =	ssyncadd.s32 $0xFFFFFE00  }
0x65: {  	_ =	swait.ge [sflag:s17], $0x2000  }
0x66: {  	[sflag:s17] =	ssyncset.done $0x0  }
0x67: {  	[sflag:s17] =	ssyncadd.s32 $0xFFFFE000  }
0x68: {  	_ =	swait.ge [sflag:s18], $0x2000  }
0x69: {  	[sflag:s18] =	ssyncset.done $0x0  }
0x6a: {  	[sflag:s18] =	ssyncadd.s32 $0xFFFFE000  }
0x6b: {  	v43 =	vld [tilespmem:$0x200]  }
0x6c: {  	v44 =	vld [tilespmem:$0x0];
	_ =	sdelay $0x3  }
0x6d: {  	v32 =	vand.u32 $0xF, v43  }
0x6e: {  	v33 =	vand.u32 $0xF, v44;
	v32 =	vor.u32 v0, v32  }
0x6f: {  	v33 =	vor.u32 v0, v33;
	_ =	sdelay $0x1  }
0x70: {  	v45 =	vld [tilespmem:$0x210]  }
0x71: {  	v46 =	vld [tilespmem:$0x10]  }
0x72: {  	v32 =	vld.idx.msk [tilespmem:v32+s13+$0x0], $0xffff  }
0x73: {  	v33 =	vld.idx.msk [tilespmem:v33+s15+$0x0], $0xffff;
	_ =	sdelay $0x1  }
0x74: {  	v47 =	vld [tilespmem:$0x4800];
	_ =	sdelay $0x1  }
0x75: {  	v34 =	vand.u32 $0xF, v45  }
0x76: {  	v49 =	vand.u32 $0xF, v46;
	v48 =	vor.u32 v1, v34;
	v32 =	vadd.f32 v33, v32  }
0x77: {  	v34 =	vor.u32 v1, v49  }
0x78: {  	v32 =	vadd.f32 v47, v32  }
0x79: {  	v51 =	vld [tilespmem:$0x220]  }
0x7a: {  	v52 =	vld [tilespmem:$0x20];
	[tilespmem:$0x4A00] =	vst v32  }
0x7b: {  	v32 =	vld.idx.msk [tilespmem:v48+s13+$0x0], $0xffff  }
0x7c: {  	v50 =	vld.idx.msk [tilespmem:v34+s15+$0x0], $0xffff;
	_ =	sdelay $0x1  }
0x7d: {  	v53 =	vld [tilespmem:$0x4810];
	_ =	sdelay $0x1  }
0x7e: {  	v34 =	vand.u32 $0xF, v51  }
0x7f: {  	v55 =	vand.u32 $0xF, v52;
	v54 =	vor.u32 v2, v34;
	v32 =	vadd.f32 v50, v32  }
0x80: {  	v34 =	vor.u32 v2, v55  }
0x81: {  	v32 =	vadd.f32 v53, v32  }
0x82: {  	v57 =	vld [tilespmem:$0x230]  }
0x83: {  	v58 =	vld [tilespmem:$0x30];
	[tilespmem:$0x4A10] =	vst v32  }
0x84: {  	v32 =	vld.idx.msk [tilespmem:v54+s13+$0x0], $0xffff  }
0x85: {  	v56 =	vld.idx.msk [tilespmem:v34+s15+$0x0], $0xffff;
	_ =	sdelay $0x1  }
0x86: {  	v59 =	vld [tilespmem:$0x4820];
	_ =	sdelay $0x1  }
0x87: {  	v34 =	vand.u32 $0xF, v57  }
0x88: {  	v61 =	vand.u32 $0xF, v58;
	v60 =	vor.u32 v3, v34;
	v32 =	vadd.f32 v56, v32  }
0x89: {  	v34 =	vor.u32 v3, v61  }
0x8a: {  	v32 =	vadd.f32 v59, v32  }
0x8b: {  	v63 =	vld [tilespmem:$0x240]  }
0x8c: {  	v40 =	vld [tilespmem:$0x40];
	[tilespmem:$0x4A20] =	vst v32  }
0x8d: {  	v32 =	vld.idx.msk [tilespmem:v60+s13+$0x0], $0xffff  }
0x8e: {  	v62 =	vld.idx.msk [tilespmem:v34+s15+$0x0], $0xffff;
	_ =	sdelay $0x1  }
0x8f: {  	v41 =	vld [tilespmem:$0x4830];
	_ =	sdelay $0x1  }
0x90: {  	v34 =	vand.u32 $0xF, v63  }
0x91: {  	v43 =	vand.u32 $0xF, v40;
	v42 =	vor.u32 v4, v34;
	v32 =	vadd.f32 v62, v32  }
0x92: {  	v34 =	vor.u32 v4, v43  }
0x93: {  	v32 =	vadd.f32 v41, v32  }
0x94: {  	v45 =	vld [tilespmem:$0x250]  }
0x95: {  	v46 =	vld [tilespmem:$0x50];
	[tilespmem:$0x4A30] =	vst v32  }
0x96: {  	v32 =	vld.idx.msk [tilespmem:v42+s13+$0x0], $0xffff  }
0x97: {  	v44 =	vld.idx.msk [tilespmem:v34+s15+$0x0], $0xffff;
	_ =	sdelay $0x1  }
0x98: {  	v47 =	vld [tilespmem:$0x4840];
	_ =	sdelay $0x1  }
0x99: {  	v34 =	vand.u32 $0xF, v45  }
0x9a: {  	v49 =	vand.u32 $0xF, v46;
	v48 =	vor.u32 v5, v34;
	v32 =	vadd.f32 v44, v32  }
0x9b: {  	v34 =	vor.u32 v5, v49  }
0x9c: {  	v32 =	vadd.f32 v47, v32  }
0x9d: {  	v52 =	vld [tilespmem:$0x60]  }
0x9e: {  	v51 =	vld [tilespmem:$0x260];
	[tilespmem:$0x4A40] =	vst v32  }
0x9f: {  	v32 =	vld.idx.msk [tilespmem:v48+s13+$0x0], $0xffff  }
0xa0: {  	v50 =	vld.idx.msk [tilespmem:v34+s15+$0x0], $0xffff;
	_ =	sdelay $0x1  }
0xa1: {  	v53 =	vld [tilespmem:$0x4850];
	_ =	sdelay $0x1  }
0xa2: {  	v34 =	vand.u32 $0xF, v51  }
0xa3: {  	v55 =	vand.u32 $0xF, v52;
	v54 =	vor.u32 v6, v34;
	v32 =	vadd.f32 v50, v32  }
0xa4: {  	v34 =	vor.u32 v6, v55  }
0xa5: {  	v32 =	vadd.f32 v53, v32  }
0xa6: {  	v58 =	vld [tilespmem:$0x70]  }
0xa7: {  	v57 =	vld [tilespmem:$0x270];
	[tilespmem:$0x4A50] =	vst v32  }
0xa8: {  	v32 =	vld.idx.msk [tilespmem:v54+s13+$0x0], $0xffff  }
0xa9: {  	v56 =	vld.idx.msk [tilespmem:v34+s15+$0x0], $0xffff;
	_ =	sdelay $0x1  }
0xaa: {  	v59 =	vld [tilespmem:$0x4860];
	_ =	sdelay $0x1  }
0xab: {  	v34 =	vand.u32 $0xF, v57  }
0xac: {  	v61 =	vand.u32 $0xF, v58;
	v60 =	vor.u32 v7, v34;
	v32 =	vadd.f32 v56, v32  }
0xad: {  	v34 =	vor.u32 v7, v61  }
0xae: {  	v32 =	vadd.f32 v59, v32  }
0xaf: {  	v40 =	vld [tilespmem:$0x80]  }
0xb0: {  	v63 =	vld [tilespmem:$0x280];
	[tilespmem:$0x4A60] =	vst v32  }
0xb1: {  	v32 =	vld.idx.msk [tilespmem:v60+s13+$0x0], $0xffff  }
0xb2: {  	v62 =	vld.idx.msk [tilespmem:v34+s15+$0x0], $0xffff;
	_ =	sdelay $0x1  }
0xb3: {  	v41 =	vld [tilespmem:$0x4870];
	_ =	sdelay $0x1  }
0xb4: {  	v34 =	vand.u32 $0xF, v63  }
0xb5: {  	v43 =	vand.u32 $0xF, v40;
	v42 =	vor.u32 v8, v34;
	v32 =	vadd.f32 v62, v32  }
0xb6: {  	v34 =	vor.u32 v8, v43  }
0xb7: {  	v32 =	vadd.f32 v41, v32  }
0xb8: {  	v46 =	vld [tilespmem:$0x90]  }
0xb9: {  	v45 =	vld [tilespmem:$0x290];
	[tilespmem:$0x4A70] =	vst v32  }
0xba: {  	v32 =	vld.idx.msk [tilespmem:v42+s13+$0x0], $0xffff  }
0xbb: {  	v44 =	vld.idx.msk [tilespmem:v34+s15+$0x0], $0xffff;
	_ =	sdelay $0x1  }
0xbc: {  	v47 =	vld [tilespmem:$0x4880];
	_ =	sdelay $0x1  }
0xbd: {  	v34 =	vand.u32 $0xF, v45  }
0xbe: {  	v49 =	vand.u32 $0xF, v46;
	v48 =	vor.u32 v9, v34;
	v32 =	vadd.f32 v44, v32  }
0xbf: {  	v34 =	vor.u32 v9, v49  }
0xc0: {  	v32 =	vadd.f32 v47, v32  }
0xc1: {  	v52 =	vld [tilespmem:$0xA0]  }
0xc2: {  	v51 =	vld [tilespmem:$0x2A0];
	[tilespmem:$0x4A80] =	vst v32  }
0xc3: {  	v32 =	vld.idx.msk [tilespmem:v48+s13+$0x0], $0xffff  }
0xc4: {  	v50 =	vld.idx.msk [tilespmem:v34+s15+$0x0], $0xffff;
	_ =	sdelay $0x1  }
0xc5: {  	v53 =	vld [tilespmem:$0x4890];
	_ =	sdelay $0x1  }
0xc6: {  	v34 =	vand.u32 $0xF, v51  }
0xc7: {  	v55 =	vand.u32 $0xF, v52;
	v54 =	vor.u32 v10, v34;
	v32 =	vadd.f32 v50, v32  }
0xc8: {  	v34 =	vor.u32 v10, v55  }
0xc9: {  	v32 =	vadd.f32 v53, v32  }
0xca: {  	v58 =	vld [tilespmem:$0xB0]  }
0xcb: {  	v57 =	vld [tilespmem:$0x2B0];
	[tilespmem:$0x4A90] =	vst v32  }
0xcc: {  	v32 =	vld.idx.msk [tilespmem:v54+s13+$0x0], $0xffff  }
0xcd: {  	v56 =	vld.idx.msk [tilespmem:v34+s15+$0x0], $0xffff;
	_ =	sdelay $0x1  }
0xce: {  	v59 =	vld [tilespmem:$0x48A0];
	_ =	sdelay $0x1  }
0xcf: {  	v34 =	vand.u32 $0xF, v57  }
0xd0: {  	v61 =	vand.u32 $0xF, v58;
	v60 =	vor.u32 v11, v34;
	v32 =	vadd.f32 v56, v32  }
0xd1: {  	v34 =	vor.u32 v11, v61  }
0xd2: {  	v32 =	vadd.f32 v59, v32  }
0xd3: {  	v40 =	vld [tilespmem:$0xC0]  }
0xd4: {  	v63 =	vld [tilespmem:$0x2C0];
	[tilespmem:$0x4AA0] =	vst v32  }
0xd5: {  	v32 =	vld.idx.msk [tilespmem:v60+s13+$0x0], $0xffff  }
0xd6: {  	v62 =	vld.idx.msk [tilespmem:v34+s15+$0x0], $0xffff;
	_ =	sdelay $0x1  }
0xd7: {  	v41 =	vld [tilespmem:$0x48B0];
	_ =	sdelay $0x1  }
0xd8: {  	v34 =	vand.u32 $0xF, v63  }
0xd9: {  	v43 =	vand.u32 $0xF, v40;
	v42 =	vor.u32 v12, v34;
	v32 =	vadd.f32 v62, v32  }
0xda: {  	v34 =	vor.u32 v12, v43  }
0xdb: {  	v32 =	vadd.f32 v41, v32  }
0xdc: {  	v46 =	vld [tilespmem:$0xD0]  }
0xdd: {  	v45 =	vld [tilespmem:$0x2D0];
	[tilespmem:$0x4AB0] =	vst v32  }
0xde: {  	v32 =	vld.idx.msk [tilespmem:v42+s13+$0x0], $0xffff  }
0xdf: {  	v44 =	vld.idx.msk [tilespmem:v34+s15+$0x0], $0xffff;
	_ =	sdelay $0x1  }
0xe0: {  	v47 =	vld [tilespmem:$0x48C0];
	_ =	sdelay $0x1  }
0xe1: {  	v34 =	vand.u32 $0xF, v45  }
0xe2: {  	v49 =	vand.u32 $0xF, v46;
	v48 =	vor.u32 v13, v34;
	v32 =	vadd.f32 v44, v32  }
0xe3: {  	v34 =	vor.u32 v13, v49  }
0xe4: {  	v32 =	vadd.f32 v47, v32  }
0xe5: {  	v52 =	vld [tilespmem:$0xE0]  }
0xe6: {  	v51 =	vld [tilespmem:$0x2E0];
	[tilespmem:$0x4AC0] =	vst v32  }
0xe7: {  	v32 =	vld.idx.msk [tilespmem:v48+s13+$0x0], $0xffff  }
0xe8: {  	v50 =	vld.idx.msk [tilespmem:v34+s15+$0x0], $0xffff;
	_ =	sdelay $0x1  }
0xe9: {  	v53 =	vld [tilespmem:$0x48D0];
	_ =	sdelay $0x1  }
0xea: {  	v34 =	vand.u32 $0xF, v51  }
0xeb: {  	v55 =	vand.u32 $0xF, v52;
	v54 =	vor.u32 v14, v34;
	v32 =	vadd.f32 v50, v32  }
0xec: {  	v34 =	vor.u32 v14, v55  }
0xed: {  	v32 =	vadd.f32 v53, v32  }
0xee: {  	v58 =	vld [tilespmem:$0xF0]  }
0xef: {  	v57 =	vld [tilespmem:$0x2F0];
	[tilespmem:$0x4AD0] =	vst v32  }
0xf0: {  	v32 =	vld.idx.msk [tilespmem:v54+s13+$0x0], $0xffff  }
0xf1: {  	v56 =	vld.idx.msk [tilespmem:v34+s15+$0x0], $0xffff;
	_ =	sdelay $0x1  }
0xf2: {  	v59 =	vld [tilespmem:$0x48E0];
	_ =	sdelay $0x1  }
0xf3: {  	v34 =	vand.u32 $0xF, v57  }
0xf4: {  	v61 =	vand.u32 $0xF, v58;
	v60 =	vor.u32 v15, v34;
	v32 =	vadd.f32 v56, v32  }
0xf5: {  	v34 =	vor.u32 v15, v61  }
0xf6: {  	v32 =	vadd.f32 v59, v32  }
0xf7: {  	v40 =	vld [tilespmem:$0x100]  }
0xf8: {  	v63 =	vld [tilespmem:$0x300];
	[tilespmem:$0x4AE0] =	vst v32  }
0xf9: {  	v32 =	vld.idx.msk [tilespmem:v60+s13+$0x0], $0xffff  }
0xfa: {  	v62 =	vld.idx.msk [tilespmem:v34+s15+$0x0], $0xffff;
	_ =	sdelay $0x1  }
0xfb: {  	v41 =	vld [tilespmem:$0x48F0];
	_ =	sdelay $0x1  }
0xfc: {  	v34 =	vand.u32 $0xF, v63  }
0xfd: {  	v43 =	vand.u32 $0xF, v40;
	v42 =	vor.u32 v16, v34;
	v32 =	vadd.f32 v62, v32  }
0xfe: {  	v34 =	vor.u32 v16, v43  }
0xff: {  	v32 =	vadd.f32 v41, v32  }
0x100: {  	v46 =	vld [tilespmem:$0x110]  }
0x101: {  	v45 =	vld [tilespmem:$0x310];
	[tilespmem:$0x4AF0] =	vst v32  }
0x102: {  	v32 =	vld.idx.msk [tilespmem:v42+s13+$0x0], $0xffff  }
0x103: {  	v44 =	vld.idx.msk [tilespmem:v34+s15+$0x0], $0xffff;
	_ =	sdelay $0x1  }
0x104: {  	v47 =	vld [tilespmem:$0x4900];
	_ =	sdelay $0x1  }
0x105: {  	v34 =	vand.u32 $0xF, v45  }
0x106: {  	v49 =	vand.u32 $0xF, v46;
	v48 =	vor.u32 v17, v34;
	v32 =	vadd.f32 v44, v32  }
0x107: {  	v34 =	vor.u32 v17, v49  }
0x108: {  	v32 =	vadd.f32 v47, v32  }
0x109: {  	v52 =	vld [tilespmem:$0x120]  }
0x10a: {  	v51 =	vld [tilespmem:$0x320];
	[tilespmem:$0x4B00] =	vst v32  }
0x10b: {  	v32 =	vld.idx.msk [tilespmem:v48+s13+$0x0], $0xffff  }
0x10c: {  	v50 =	vld.idx.msk [tilespmem:v34+s15+$0x0], $0xffff;
	_ =	sdelay $0x1  }
0x10d: {  	v53 =	vld [tilespmem:$0x4910];
	_ =	sdelay $0x1  }
0x10e: {  	v34 =	vand.u32 $0xF, v51  }
0x10f: {  	v55 =	vand.u32 $0xF, v52;
	v54 =	vor.u32 v18, v34;
	v32 =	vadd.f32 v50, v32  }
0x110: {  	v34 =	vor.u32 v18, v55  }
0x111: {  	v32 =	vadd.f32 v53, v32  }
0x112: {  	v58 =	vld [tilespmem:$0x130]  }
0x113: {  	v57 =	vld [tilespmem:$0x330];
	[tilespmem:$0x4B10] =	vst v32  }
0x114: {  	v32 =	vld.idx.msk [tilespmem:v54+s13+$0x0], $0xffff  }
0x115: {  	v56 =	vld.idx.msk [tilespmem:v34+s15+$0x0], $0xffff;
	_ =	sdelay $0x1  }
0x116: {  	v59 =	vld [tilespmem:$0x4920];
	_ =	sdelay $0x1  }
0x117: {  	v34 =	vand.u32 $0xF, v57  }
0x118: {  	v61 =	vand.u32 $0xF, v58;
	v60 =	vor.u32 v19, v34;
	v32 =	vadd.f32 v56, v32  }
0x119: {  	v34 =	vor.u32 v19, v61  }
0x11a: {  	v32 =	vadd.f32 v59, v32  }
0x11b: {  	v40 =	vld [tilespmem:$0x140]  }
0x11c: {  	v63 =	vld [tilespmem:$0x340];
	[tilespmem:$0x4B20] =	vst v32  }
0x11d: {  	v32 =	vld.idx.msk [tilespmem:v60+s13+$0x0], $0xffff  }
0x11e: {  	v62 =	vld.idx.msk [tilespmem:v34+s15+$0x0], $0xffff;
	_ =	sdelay $0x1  }
0x11f: {  	v41 =	vld [tilespmem:$0x4930];
	_ =	sdelay $0x1  }
0x120: {  	v34 =	vand.u32 $0xF, v63  }
0x121: {  	v43 =	vand.u32 $0xF, v40;
	v42 =	vor.u32 v20, v34;
	v32 =	vadd.f32 v62, v32  }
0x122: {  	v34 =	vor.u32 v20, v43  }
0x123: {  	v32 =	vadd.f32 v41, v32  }
0x124: {  	v46 =	vld [tilespmem:$0x150]  }
0x125: {  	v45 =	vld [tilespmem:$0x350];
	[tilespmem:$0x4B30] =	vst v32  }
0x126: {  	v32 =	vld.idx.msk [tilespmem:v42+s13+$0x0], $0xffff  }
0x127: {  	v44 =	vld.idx.msk [tilespmem:v34+s15+$0x0], $0xffff;
	_ =	sdelay $0x1  }
0x128: {  	v47 =	vld [tilespmem:$0x4940];
	_ =	sdelay $0x1  }
0x129: {  	v34 =	vand.u32 $0xF, v45  }
0x12a: {  	v49 =	vand.u32 $0xF, v46;
	v48 =	vor.u32 v21, v34;
	v32 =	vadd.f32 v44, v32  }
0x12b: {  	v34 =	vor.u32 v21, v49  }
0x12c: {  	v32 =	vadd.f32 v47, v32  }
0x12d: {  	v52 =	vld [tilespmem:$0x160]  }
0x12e: {  	v51 =	vld [tilespmem:$0x360];
	[tilespmem:$0x4B40] =	vst v32  }
0x12f: {  	v32 =	vld.idx.msk [tilespmem:v48+s13+$0x0], $0xffff  }
0x130: {  	v50 =	vld.idx.msk [tilespmem:v34+s15+$0x0], $0xffff;
	_ =	sdelay $0x1  }
0x131: {  	v53 =	vld [tilespmem:$0x4950];
	_ =	sdelay $0x1  }
0x132: {  	v34 =	vand.u32 $0xF, v51  }
0x133: {  	v55 =	vand.u32 $0xF, v52;
	v54 =	vor.u32 v22, v34;
	v32 =	vadd.f32 v50, v32  }
0x134: {  	v34 =	vor.u32 v22, v55  }
0x135: {  	v32 =	vadd.f32 v53, v32  }
0x136: {  	v58 =	vld [tilespmem:$0x170]  }
0x137: {  	v57 =	vld [tilespmem:$0x370];
	[tilespmem:$0x4B50] =	vst v32  }
0x138: {  	v32 =	vld.idx.msk [tilespmem:v54+s13+$0x0], $0xffff  }
0x139: {  	v56 =	vld.idx.msk [tilespmem:v34+s15+$0x0], $0xffff;
	_ =	sdelay $0x1  }
0x13a: {  	v59 =	vld [tilespmem:$0x4960];
	_ =	sdelay $0x1  }
0x13b: {  	v34 =	vand.u32 $0xF, v57  }
0x13c: {  	v61 =	vand.u32 $0xF, v58;
	v60 =	vor.u32 v23, v34;
	v32 =	vadd.f32 v56, v32  }
0x13d: {  	v34 =	vor.u32 v23, v61  }
0x13e: {  	v32 =	vadd.f32 v59, v32  }
0x13f: {  	v40 =	vld [tilespmem:$0x180]  }
0x140: {  	v63 =	vld [tilespmem:$0x380];
	[tilespmem:$0x4B60] =	vst v32  }
0x141: {  	v32 =	vld.idx.msk [tilespmem:v60+s13+$0x0], $0xffff  }
0x142: {  	v62 =	vld.idx.msk [tilespmem:v34+s15+$0x0], $0xffff;
	_ =	sdelay $0x1  }
0x143: {  	v41 =	vld [tilespmem:$0x4970];
	_ =	sdelay $0x1  }
0x144: {  	v34 =	vand.u32 $0xF, v63  }
0x145: {  	v43 =	vand.u32 $0xF, v40;
	v42 =	vor.u32 v24, v34;
	v32 =	vadd.f32 v62, v32  }
0x146: {  	v34 =	vor.u32 v24, v43  }
0x147: {  	v32 =	vadd.f32 v41, v32  }
0x148: {  	v46 =	vld [tilespmem:$0x190]  }
0x149: {  	v45 =	vld [tilespmem:$0x390];
	[tilespmem:$0x4B70] =	vst v32  }
0x14a: {  	v32 =	vld.idx.msk [tilespmem:v42+s13+$0x0], $0xffff  }
0x14b: {  	v44 =	vld.idx.msk [tilespmem:v34+s15+$0x0], $0xffff;
	_ =	sdelay $0x1  }
0x14c: {  	v47 =	vld [tilespmem:$0x4980];
	_ =	sdelay $0x1  }
0x14d: {  	v34 =	vand.u32 $0xF, v45  }
0x14e: {  	v49 =	vand.u32 $0xF, v46;
	v48 =	vor.u32 v25, v34;
	v32 =	vadd.f32 v44, v32  }
0x14f: {  	v34 =	vor.u32 v25, v49  }
0x150: {  	v32 =	vadd.f32 v47, v32  }
0x151: {  	v52 =	vld [tilespmem:$0x1A0]  }
0x152: {  	v51 =	vld [tilespmem:$0x3A0];
	[tilespmem:$0x4B80] =	vst v32  }
0x153: {  	v32 =	vld.idx.msk [tilespmem:v48+s13+$0x0], $0xffff  }
0x154: {  	v50 =	vld.idx.msk [tilespmem:v34+s15+$0x0], $0xffff;
	_ =	sdelay $0x1  }
0x155: {  	v53 =	vld [tilespmem:$0x4990];
	_ =	sdelay $0x1  }
0x156: {  	v34 =	vand.u32 $0xF, v51  }
0x157: {  	v55 =	vand.u32 $0xF, v52;
	v54 =	vor.u32 v26, v34;
	v32 =	vadd.f32 v50, v32  }
0x158: {  	v34 =	vor.u32 v26, v55  }
0x159: {  	v32 =	vadd.f32 v53, v32  }
0x15a: {  	v58 =	vld [tilespmem:$0x1B0]  }
0x15b: {  	v57 =	vld [tilespmem:$0x3B0];
	[tilespmem:$0x4B90] =	vst v32  }
0x15c: {  	v32 =	vld.idx.msk [tilespmem:v54+s13+$0x0], $0xffff  }
0x15d: {  	v56 =	vld.idx.msk [tilespmem:v34+s15+$0x0], $0xffff;
	_ =	sdelay $0x1  }
0x15e: {  	v59 =	vld [tilespmem:$0x49A0];
	_ =	sdelay $0x1  }
0x15f: {  	v34 =	vand.u32 $0xF, v57  }
0x160: {  	v61 =	vand.u32 $0xF, v58;
	v60 =	vor.u32 v27, v34;
	v32 =	vadd.f32 v56, v32  }
0x161: {  	v34 =	vor.u32 v27, v61  }
0x162: {  	v32 =	vadd.f32 v59, v32  }
0x163: {  	v40 =	vld [tilespmem:$0x1C0]  }
0x164: {  	v63 =	vld [tilespmem:$0x3C0];
	[tilespmem:$0x4BA0] =	vst v32  }
0x165: {  	v32 =	vld.idx.msk [tilespmem:v60+s13+$0x0], $0xffff  }
0x166: {  	v62 =	vld.idx.msk [tilespmem:v34+s15+$0x0], $0xffff;
	_ =	sdelay $0x1  }
0x167: {  	v41 =	vld [tilespmem:$0x49B0];
	_ =	sdelay $0x1  }
0x168: {  	v34 =	vand.u32 $0xF, v63  }
0x169: {  	v43 =	vand.u32 $0xF, v40;
	v42 =	vor.u32 v28, v34;
	v32 =	vadd.f32 v62, v32  }
0x16a: {  	v34 =	vor.u32 v28, v43  }
0x16b: {  	v32 =	vadd.f32 v41, v32  }
0x16c: {  	v46 =	vld [tilespmem:$0x1D0]  }
0x16d: {  	v45 =	vld [tilespmem:$0x3D0];
	[tilespmem:$0x4BB0] =	vst v32  }
0x16e: {  	v32 =	vld.idx.msk [tilespmem:v42+s13+$0x0], $0xffff  }
0x16f: {  	v44 =	vld.idx.msk [tilespmem:v34+s15+$0x0], $0xffff;
	_ =	sdelay $0x1  }
0x170: {  	v47 =	vld [tilespmem:$0x49C0];
	_ =	sdelay $0x1  }
0x171: {  	v34 =	vand.u32 $0xF, v45  }
0x172: {  	v49 =	vand.u32 $0xF, v46;
	v48 =	vor.u32 v29, v34;
	v32 =	vadd.f32 v44, v32  }
0x173: {  	v34 =	vor.u32 v29, v49  }
0x174: {  	v32 =	vadd.f32 v47, v32  }
0x175: {  	v52 =	vld [tilespmem:$0x1E0]  }
0x176: {  	v51 =	vld [tilespmem:$0x3E0];
	[tilespmem:$0x4BC0] =	vst v32  }
0x177: {  	v32 =	vld.idx.msk [tilespmem:v48+s13+$0x0], $0xffff  }
0x178: {  	v50 =	vld.idx.msk [tilespmem:v34+s15+$0x0], $0xffff;
	_ =	sdelay $0x1  }
0x179: {  	v53 =	vld [tilespmem:$0x49D0];
	_ =	sdelay $0x1  }
0x17a: {  	v34 =	vand.u32 $0xF, v51  }
0x17b: {  	v55 =	vand.u32 $0xF, v52;
	v54 =	vor.u32 v30, v34;
	v32 =	vadd.f32 v50, v32  }
0x17c: {  	v34 =	vor.u32 v30, v55  }
0x17d: {  	v32 =	vadd.f32 v53, v32  }
0x17e: {  	v58 =	vld [tilespmem:$0x1F0]  }
0x17f: {  	v57 =	vld [tilespmem:$0x3F0];
	[tilespmem:$0x4BD0] =	vst v32  }
0x180: {  	v32 =	vld.idx.msk [tilespmem:v54+s13+$0x0], $0xffff  }
0x181: {  	v56 =	vld.idx.msk [tilespmem:v34+s15+$0x0], $0xffff;
	_ =	sdelay $0x1  }
0x182: {  	v59 =	vld [tilespmem:$0x49E0];
	_ =	sdelay $0x1  }
0x183: {  	v34 =	vand.u32 $0xF, v57  }
0x184: {  	v61 =	vand.u32 $0xF, v58;
	v60 =	vor.u32 v31, v34;
	v32 =	vadd.f32 v56, v32  }
0x185: {  	v34 =	vor.u32 v31, v61  }
0x186: {  	v32 =	vadd.f32 v59, v32;
	_ =	sdelay $0x1  }
0x187: {  	[tilespmem:$0x4BE0] =	vst v32  }
0x188: {  	v32 =	vld.idx.msk [tilespmem:v60+s13+$0x0], $0xffff  }
0x189: {  	v62 =	vld.idx.msk [tilespmem:v34+s15+$0x0], $0xffff;
	_ =	sdelay $0x1  }
0x18a: {  	v63 =	vld [tilespmem:$0x49F0];
	_ =	sdelay $0x2  }
0x18b: {  	v32 =	vadd.f32 v62, v32;
	_ =	sdelay $0x1  }
0x18c: {  	v32 =	vadd.f32 v63, v32  }
0x18d: {  	p0 =	sne.s32 s9, $0x1  }
.Ltmp0:
0x18e: {  	[tilespmem:$0x4BF0] =	vst v32;
	(pc) =	sbr.rel @p0 .LBB2_1-.Ltmp0, $4  }
0x18f: {  	[hbm4b:s8+s1] =	stream.linear.scatter [tilespmem:s19], [sflag:$0x3], $0x200, $0x38;
	[tilespmem:$0x4C00] =	vst v63  }
0x190: {  	_ =	swait.ge [sflag:s10], $0x200  }
0x191: {  	[sflag:s10] =	ssyncset.done $0x0  }
0x192: {  	s9 =	sadd.s32 $0xFFFFFFFF, s9;
	[sflag:s10] =	ssyncadd.s32 $0xFFFFFE00  }
0x193: {  	_ =	sfence.sel $0x180000  }
0x194: {  	[bflag:$0x0] =	sbarrier.arrive $0xFFFF  }
0x195: {  	p0 =	sne.s32 s2, $0x0;
	_ =	strace $0x90000047  }
0x196: {  	s0 =	sadd.s32 @!p0 $0x100000, s0;
	[bflag:$0x2] =	sbarrier.arrive $0xFFFF  }
0x197: {  	[sflag:s0] =	ssyncadd.tile.s32 @!p0 $0x1;
	_ =	shalt  }
.Lfunc_end2:
_tile_overlayer_lowered:
.L_overlay_start_2:
0x198: {  	(tag) =	ssettag $0x2  }
0x199: {  	s0 =	rddreg [dreg:$0x0];
	s2 =	stileid.u32  }
0x19a: {  	s1 =	rddreg [dreg:$0x1];
	p0 =	sne.s32 s2, $0x0  }
0x19b: {  	s3 =	rddreg [dreg:$0x2];
	[bflag:$0x3] =	sbarrier.arrive $0xFFFF;
	s2 =	simm.s32 @!p0 $0x1C03  }
0x19c: {  	[timem:s3], [sflag:s2] =	dma.local @!p0 [hbm:s0], s1  }
0x19d: {  	s0 =	simm.s32 @!p0 $0x3  }
0x19e: {  	_ =	swait.ge @!p0 [sflag:s0], s1  }
0x19f: {  	s1 =	ssub.s32 @!p0 $0x0, s1;
	[sflag:s0] =	ssyncset.done @!p0 $0x0  }
0x1a0: {  	[sflag:s0] =	ssyncadd.s32 @!p0 s1  }
0x1a1: {  	[bflag:$0x3] =	sbarrier.arrive $0xFFFF  }
0x1a2: {  	_ =	shalt  }

</sc_bundles>
